<compile_context>
chip_gen: v7x
topology: tpu7x:2x2x1
jax: 0.10.2.dev20260603
libtpu: 0.0.44.dev20260713+nightly
codegen_flags: <defaults>
</compile_context>

<pallas_src>
import functools

import jax
import jax.numpy as jnp
from jax import lax
from jax.experimental import pallas as pl
from jax.experimental.pallas import tpu as pltpu
from jax.experimental.pallas import tpu_sc as plsc

N = 10000
E = 160000
D_IN = 128
D_H = 64
D_OUT = 3

NPAD = 10240
ROWS_PER_TILE = 640
CHUNK = 128
E_PER_SC = E // 2
CHUNKS_PER_SC = E_PER_SC // CHUNK
GMAX = 40

D_PAD = 128


def _deg_body(dst_hbm, ones_hbm, zeros_hbm, out_hbm, dst_v, ones_v, deg_sh):
    c = lax.axis_index("c")
    s = lax.axis_index("s")
    pltpu.sync_copy(zeros_hbm.at[pl.ds(s * ROWS_PER_TILE, ROWS_PER_TILE)],
                    deg_sh.at[pl.ds(s * ROWS_PER_TILE, ROWS_PER_TILE)])
    pltpu.sync_copy(ones_hbm, ones_v)
    plsc.subcore_barrier()

    def body(g, carry):
        k = s + 16 * g

        @pl.when(k < CHUNKS_PER_SC)
        def _():
            base = c * E_PER_SC + k * CHUNK
            pltpu.sync_copy(dst_hbm.at[pl.ds(base, CHUNK)], dst_v)
            pltpu.sync_copy(ones_v, deg_sh.at[dst_v], add=True)

        return carry

    lax.fori_loop(0, GMAX, body, 0)
    plsc.subcore_barrier()
    pltpu.sync_copy(deg_sh.at[pl.ds(s * ROWS_PER_TILE, ROWS_PER_TILE)],
                    out_hbm.at[c, pl.ds(s * ROWS_PER_TILE, ROWS_PER_TILE)])


@functools.cache
def _deg_call():
    return pl.kernel(
        _deg_body,
        mesh=plsc.VectorSubcoreMesh(core_axis_name="c", subcore_axis_name="s"),
        out_type=jax.ShapeDtypeStruct((2, NPAD, D_PAD), jnp.float32),
        scratch_types=[
            pltpu.VMEM((CHUNK,), jnp.int32),
            pltpu.VMEM((CHUNK, D_PAD), jnp.float32),
            pltpu.VMEM_SHARED((NPAD, D_PAD), jnp.float32),
        ],
    )


def _agg_body(src_hbm, dst_hbm, hp_hbm, zeros_hbm, out_hbm,
              src_v, dst_v, rows_v, acc_sh):
    c = lax.axis_index("c")
    s = lax.axis_index("s")
    pltpu.sync_copy(zeros_hbm.at[pl.ds(s * ROWS_PER_TILE, ROWS_PER_TILE)],
                    acc_sh.at[pl.ds(s * ROWS_PER_TILE, ROWS_PER_TILE)])
    plsc.subcore_barrier()

    def body(g, carry):
        k = s + 16 * g

        @pl.when(k < CHUNKS_PER_SC)
        def _():
            base = c * E_PER_SC + k * CHUNK
            pltpu.sync_copy(src_hbm.at[pl.ds(base, CHUNK)], src_v)
            pltpu.sync_copy(dst_hbm.at[pl.ds(base, CHUNK)], dst_v)
            pltpu.sync_copy(hp_hbm.at[src_v], rows_v)
            pltpu.sync_copy(rows_v, acc_sh.at[dst_v], add=True)

        return carry

    lax.fori_loop(0, GMAX, body, 0)
    plsc.subcore_barrier()
    pltpu.sync_copy(acc_sh.at[pl.ds(s * ROWS_PER_TILE, ROWS_PER_TILE)],
                    out_hbm.at[c, pl.ds(s * ROWS_PER_TILE, ROWS_PER_TILE)])


@functools.cache
def _agg_call():
    return pl.kernel(
        _agg_body,
        mesh=plsc.VectorSubcoreMesh(core_axis_name="c", subcore_axis_name="s"),
        out_type=jax.ShapeDtypeStruct((2, NPAD, D_PAD), jnp.float32),
        scratch_types=[
            pltpu.VMEM((CHUNK,), jnp.int32),
            pltpu.VMEM((CHUNK,), jnp.int32),
            pltpu.VMEM((CHUNK, D_PAD), jnp.float32),
            pltpu.VMEM_SHARED((NPAD, D_PAD), jnp.float32),
        ],
    )


_BLK = 2000


def _prep_body(x_ref, w_ref, deg_ref, hp_ref, dv_ref):
    h = jnp.dot(x_ref[...], w_ref[...], preferred_element_type=jnp.float32)
    deg = deg_ref[0, :, 0] + deg_ref[1, :, 0] + 1.0
    dinv = lax.rsqrt(deg)[:, None]
    hp = h * dinv
    hp_ref[...] = jnp.concatenate(
        [hp, jnp.zeros((_BLK, D_PAD - D_H), jnp.float32)], axis=1)
    dv_ref[...] = jnp.broadcast_to(dinv, (_BLK, D_H))


def _prep_call(x, w_gcn, deg2):
    return pl.pallas_call(
        _prep_body,
        grid=(N // _BLK,),
        in_specs=[
            pl.BlockSpec((_BLK, D_IN), lambda i: (i, 0)),
            pl.BlockSpec((D_IN, D_H), lambda i: (0, 0)),
            pl.BlockSpec((2, _BLK, D_PAD), lambda i: (0, i, 0)),
        ],
        out_specs=[
            pl.BlockSpec((_BLK, D_PAD), lambda i: (i, 0)),
            pl.BlockSpec((_BLK, D_H), lambda i: (i, 0)),
        ],
        out_shape=[
            jax.ShapeDtypeStruct((N, D_PAD), jnp.float32),
            jax.ShapeDtypeStruct((N, D_H), jnp.float32),
        ],
    )(x, w_gcn, deg2)


def _gx_body(acc_ref, hp_ref, dv_ref, bg_ref, wih4_ref, bihh4_ref,
             gxi_ref, gxf_ref, gxg_ref, gxo_ref):
    g = dv_ref[...] * (acc_ref[0] + acc_ref[1] + hp_ref[...]) + bg_ref[...]
    for s, r in enumerate([gxi_ref, gxf_ref, gxg_ref, gxo_ref]):
        r[...] = lax.dot_general(
            g, wih4_ref[s], (((1,), (0,)), ((), ())),
            preferred_element_type=jnp.float32) + bihh4_ref[s:s + 1, :]


def _gx_call(acc2, hp, dv, b_gcn, wih4, bihh4):
    spec = pl.BlockSpec((_BLK, D_H), lambda i: (i, 0))
    return pl.pallas_call(
        _gx_body,
        grid=(N // _BLK,),
        in_specs=[
            pl.BlockSpec((2, _BLK, D_H), lambda i: (0, i, 0)),
            spec,
            spec,
            pl.BlockSpec((1, D_H), lambda i: (0, 0)),
            pl.BlockSpec((4, D_H, D_H), lambda i: (0, 0, 0)),
            pl.BlockSpec((4, D_H), lambda i: (0, 0)),
        ],
        out_specs=[spec, spec, spec, spec],
        out_shape=[jax.ShapeDtypeStruct((N, D_H), jnp.float32)
                   for _ in range(4)],
    )(acc2, hp, dv, b_gcn, wih4, bihh4)


_TB = 200
_NB = N // _TB


def _final_body(gxi_ref, gxf_ref, gxg_ref, gxo_ref, whh4_ref,
                wfc_ref, bfc_ref, h0_ref, c0_ref,
                out_ref, hn_ref, cn_ref, ys_ref, h_ref, c_ref):
    b = pl.program_id(0)

    @pl.when(b == 0)
    def _():
        h_ref[...] = h0_ref[...]
        c_ref[...] = c0_ref[...]

    wti = whh4_ref[0]
    wtf = whh4_ref[1]
    wtg = whh4_ref[2]
    wto = whh4_ref[3]

    def mv(h, w):
        return lax.dot_general(h, w, (((1,), (0,)), ((), ())),
                               preferred_element_type=jnp.float32)

    def step(t, carry):
        h, c = carry
        t1 = pl.ds(t, 1)
        i = 0.5 + 0.5 * jnp.tanh(gxi_ref[t1, :] + mv(h, wti))
        f = 0.5 + 0.5 * jnp.tanh(gxf_ref[t1, :] + mv(h, wtf))
        gg = jnp.tanh(gxg_ref[t1, :] + mv(h, wtg))
        o = 0.5 + 0.5 * jnp.tanh(gxo_ref[t1, :] + mv(h, wto))
        c = f * c + i * gg
        h = o * jnp.tanh(c)
        ys_ref[t1, :] = h
        return (h, c)

    h, c = lax.fori_loop(0, _TB, step, (h_ref[...], c_ref[...]), unroll=8)
    h_ref[...] = h
    c_ref[...] = c
    out_ref[...] = lax.dot_general(
        ys_ref[...], wfc_ref[...], (((1,), (1,)), ((), ())),
        preferred_element_type=jnp.float32) + bfc_ref[...]
    hn_ref[...] = h
    cn_ref[...] = c


def _final_call(gxi, gxf, gxg, gxo, whh4, w_fc, b_fc, h0, c0):
    tspec = pl.BlockSpec((_TB, D_H), lambda b: (b, 0))
    return pl.pallas_call(
        _final_body,
        grid=(_NB,),
        in_specs=[
            tspec, tspec, tspec, tspec,
            pl.BlockSpec((4, D_H, D_H), lambda b: (0, 0, 0)),
            pl.BlockSpec((D_OUT, D_H), lambda b: (0, 0)),
            pl.BlockSpec((1, D_OUT), lambda b: (0, 0)),
            pl.BlockSpec((1, D_H), lambda b: (0, 0)),
            pl.BlockSpec((1, D_H), lambda b: (0, 0)),
        ],
        out_specs=[
            pl.BlockSpec((_TB, D_OUT), lambda b: (b, 0)),
            pl.BlockSpec((1, D_H), lambda b: (0, 0)),
            pl.BlockSpec((1, D_H), lambda b: (0, 0)),
        ],
        out_shape=[
            jax.ShapeDtypeStruct((N, D_OUT), jnp.float32),
            jax.ShapeDtypeStruct((1, D_H), jnp.float32),
            jax.ShapeDtypeStruct((1, D_H), jnp.float32),
        ],
        scratch_shapes=[
            pltpu.VMEM((_TB, D_H), jnp.float32),
            pltpu.VMEM((1, D_H), jnp.float32),
            pltpu.VMEM((1, D_H), jnp.float32),
        ],
    )(gxi, gxf, gxg, gxo, whh4, w_fc, b_fc, h0, c0)


def kernel(x, edge_index, hidden_state, cell_state, W_gcn, b_gcn,
           W_ih, W_hh, b_ih, b_hh, W_fc, b_fc):
    src = edge_index[0].astype(jnp.int32)
    dst = edge_index[1].astype(jnp.int32)

    ones128 = jnp.ones((CHUNK, D_PAD), jnp.float32)
    zeros128 = jnp.zeros((NPAD, D_PAD), jnp.float32)

    deg2 = _deg_call()(dst, ones128, zeros128)
    hp, dv = _prep_call(x, W_gcn, deg2[:, :N, :])
    acc2 = _agg_call()(src, dst, hp, zeros128)

    gscale = jnp.array([0.5, 0.5, 1.0, 0.5], jnp.float32)
    wih4 = W_ih.reshape(4, D_H, D_H).transpose(0, 2, 1) * gscale[:, None, None]
    whh4 = W_hh.reshape(4, D_H, D_H).transpose(0, 2, 1) * gscale[:, None, None]
    bihh4 = (b_ih + b_hh).reshape(4, D_H) * gscale[:, None]
    gxi, gxf, gxg, gxo = _gx_call(
        acc2[:, :N, :D_H], hp[:, :D_H], dv, b_gcn.reshape(1, D_H),
        wih4, bihh4)
    out, hn, cn = _final_call(
        gxi, gxf, gxg, gxo, whh4,
        W_fc, b_fc.reshape(1, D_OUT),
        hidden_state.reshape(1, D_H), cell_state.reshape(1, D_H))
    return out, hn.reshape(1, 1, D_H), cn.reshape(1, 1, D_H)

# --- scband reference (transcript-rebuilt; emitter-appended) ---
"""Pipeline reference for scband-lstmmodel2-76441827934930 (READ-ONLY COPY).

The authoritative reference and input builder live on the scoring server;
editing this copy changes nothing except your own understanding.
"""

import jax, jax.numpy as jnp
import numpy as np

N = 10000
E = 160000
D_IN = 128
D_H = 64
D_OUT = 3


def _gcn_conv(x, edge_index, W, b):
    # Faithful PyG GCNConv: add self-loops, symmetric degree normalization,
    # linear transform, scatter-add aggregation, bias.
    src = edge_index[0]
    dst = edge_index[1]
    loop = jnp.arange(N, dtype=src.dtype)
    src = jnp.concatenate([src, loop])
    dst = jnp.concatenate([dst, loop])
    deg = jnp.zeros((N,), dtype=x.dtype).at[dst].add(1.0)
    deg_inv_sqrt = jnp.where(deg > 0, deg ** -0.5, 0.0)
    norm = deg_inv_sqrt[src] * deg_inv_sqrt[dst]
    h = x @ W  # [N, D_H]
    msg = h[src] * norm[:, None]
    out = jnp.zeros((N, W.shape[1]), dtype=x.dtype).at[dst].add(msg)
    return out + b


def _lstm(xs, h0, c0, W_ih, W_hh, b_ih, b_hh):
    # PyTorch LSTM, single layer, batch=1, seq_len=N, gate order i,f,g,o.
    def step(carry, x_t):
        h, c = carry
        gates = x_t @ W_ih.T + b_ih + h @ W_hh.T + b_hh
        i, f, g, o = jnp.split(gates, 4)
        i = jax.nn.sigmoid(i)
        f = jax.nn.sigmoid(f)
        g = jnp.tanh(g)
        o = jax.nn.sigmoid(o)
        c_new = f * c + i * g
        h_new = o * jnp.tanh(c_new)
        return (h_new, c_new), h_new
    (h_n, c_n), ys = jax.lax.scan(step, (h0, c0), xs)
    return ys, h_n, c_n


def setup_inputs(seed: int = 0):
    key = jax.random.key(seed)
    ks = jax.random.split(key, 12)
    x = jax.random.normal(ks[0], (N, D_IN), dtype=jnp.float32)
    edge_index = jax.random.randint(ks[1], (2, E), 0, N)
    hidden_state = jnp.zeros((1, 1, D_H), dtype=jnp.float32)
    cell_state = jnp.zeros((1, 1, D_H), dtype=jnp.float32)
    W_gcn = 0.05 * jax.random.normal(ks[2], (D_IN, D_H), dtype=jnp.float32)
    b_gcn = 0.05 * jax.random.normal(ks[3], (D_H,), dtype=jnp.float32)
    W_ih = 0.05 * jax.random.normal(ks[4], (4 * D_H, D_H), dtype=jnp.float32)
    W_hh = 0.05 * jax.random.normal(ks[5], (4 * D_H, D_H), dtype=jnp.float32)
    b_ih = 0.05 * jax.random.normal(ks[6], (4 * D_H,), dtype=jnp.float32)
    b_hh = 0.05 * jax.random.normal(ks[7], (4 * D_H,), dtype=jnp.float32)
    W_fc = 0.05 * jax.random.normal(ks[8], (D_OUT, D_H), dtype=jnp.float32)
    b_fc = 0.05 * jax.random.normal(ks[9], (D_OUT,), dtype=jnp.float32)
    return {"x": x, "edge_index": edge_index, "hidden_state": hidden_state,
            "cell_state": cell_state, "W_gcn": W_gcn, "b_gcn": b_gcn,
            "W_ih": W_ih, "W_hh": W_hh, "b_ih": b_ih, "b_hh": b_hh,
            "W_fc": W_fc, "b_fc": b_fc}


def reference(x, edge_index, hidden_state, cell_state, W_gcn, b_gcn,
              W_ih, W_hh, b_ih, b_hh, W_fc, b_fc):
    h_gcn = _gcn_conv(x, edge_index, W_gcn, b_gcn)  # [N, D_H]
    h0 = hidden_state[0, 0]
    c0 = cell_state[0, 0]
    ys, h_n, c_n = _lstm(h_gcn, h0, c0, W_ih, W_hh, b_ih, b_hh)  # ys [N, D_H]
    out = ys @ W_fc.T + b_fc  # [N, D_OUT]
    return out, h_n.reshape(1, 1, D_H), c_n.reshape(1, 1, D_H)

if __name__ == "__main__":
    import jax
    _d = setup_inputs()
    print(jax.jit(kernel)(*tuple(_d.values())))

</pallas_src>

<mosaic_0001>
#map = affine_map<(d0, d1) -> (0)>
#map1 = affine_map<(d0, d1) -> (0, 0)>
#map2 = affine_map<(d0, d1) -> (0, 0, 0)>
module attributes {stable_mosaic.version = 14 : i64} {
  func.func @_agg_body(%arg0: i32, %arg1: i32, %arg2: memref<160000xi32, #tpu.memory_space<hbm>>, %arg3: memref<160000xi32, #tpu.memory_space<hbm>>, %arg4: memref<10000x128xf32, #tpu.memory_space<hbm>>, %arg5: memref<10240x128xf32, #tpu.memory_space<hbm>>, %arg6: memref<2x10240x128xf32, #tpu.memory_space<hbm>>, %arg7: memref<128xi32, #tpu.memory_space<vmem>>, %arg8: memref<128xi32, #tpu.memory_space<vmem>>, %arg9: memref<128x128xf32, #tpu.memory_space<vmem>>, %arg10: memref<10240x128xf32, #tpu.memory_space<vmem_shared>>) attributes {dimension_semantics = [#tpu.dimension_semantics<core_parallel>, #tpu.dimension_semantics<subcore_parallel>], iteration_bounds = array<i64: 2, 16>, scalar_prefetch = 0 : i64, scratch_operands = 4 : i64, tpu.core_type = #tpu.core_type<sc_vector_subcore>, window_params = [{transform_indices = #map}, {transform_indices = #map}, {transform_indices = #map1}, {transform_indices = #map1}, {transform_indices = #map2}]} {
    %mul3A = arith.constant 640 : i32
    %mul3A_0 = arith.muli %arg1, %mul3A : i32
    %mul3A_1 = arith.constant 640 : i32
    %mul3A_2 = arith.muli %arg1, %mul3A_1 : i32
    "tpu.region"() ({
      %run_scoped3A = tpu.sem_alloc : memref<!tpu.dma_semaphore, #tpu.memory_space<semaphore_mem>>
      %dma_start3A = arith.constant 0 : i32
      %dma_start3A_13 = tpu.memref_slice %arg10[%mul3A_2, %dma_start3A] : memref<10240x128xf32, #tpu.memory_space<vmem_shared>> -> memref<640x128xf32, #tpu.memory_space<vmem_shared>>
      %dma_start3A_14 = arith.constant 0 : i32
      %dma_start3A_15 = tpu.memref_slice %arg5[%mul3A_0, %dma_start3A_14] : memref<10240x128xf32, #tpu.memory_space<hbm>> -> memref<640x128xf32, #tpu.memory_space<hbm>>
      tpu.enqueue_dma source(%dma_start3A_15 : memref<640x128xf32, #tpu.memory_space<hbm>>) target(%dma_start3A_13 : memref<640x128xf32, #tpu.memory_space<vmem_shared>>) target_semaphore(%run_scoped3A : memref<!tpu.dma_semaphore, #tpu.memory_space<semaphore_mem>>)
      %dma_wait3A = arith.constant 0 : i32
      %dma_wait3A_16 = tpu.memref_slice %arg10[%mul3A_2, %dma_wait3A] : memref<10240x128xf32, #tpu.memory_space<vmem_shared>> -> memref<640x128xf32, #tpu.memory_space<vmem_shared>>
      %dma_wait3A_17 = arith.constant 0 : i32
      %dma_wait3A_18 = tpu.memref_slice %arg5[%mul3A_0, %dma_wait3A_17] : memref<10240x128xf32, #tpu.memory_space<hbm>> -> memref<640x128xf32, #tpu.memory_space<hbm>>
      tpu.wait_dma2 semaphore(%run_scoped3A : memref<!tpu.dma_semaphore, #tpu.memory_space<semaphore_mem>>) src(%dma_wait3A_18 : memref<640x128xf32, #tpu.memory_space<hbm>>) dst(%dma_wait3A_16 : memref<640x128xf32, #tpu.memory_space<vmem_shared>>)
      tpu.yield
    }) : () -> ()
    %barrier3A = arith.constant 0 : index
    tpu.barrier barrier_id(%barrier3A)
    %scan3A = arith.constant 0 : i32
    %scan3A_3 = arith.constant 0 : i32
    %scan3A_4 = arith.constant 40 : i32
    %scan3A_5 = arith.addi %scan3A_3, %scan3A_4 : i32
    %scan3A_6 = arith.constant 1 : i32
    scf.for %scan3A_13 = %scan3A_3 to %scan3A_5 step %scan3A_6  : i32 {
      %mul3A_14 = arith.constant 16 : i32
      %mul3A_15 = arith.muli %mul3A_14, %scan3A_13 : i32
      %add3A = arith.addi %arg1, %mul3A_15 : i32
      %lt3A = arith.constant 625 : i32
      %lt3A_16 = arith.cmpi slt, %add3A, %lt3A : i32
      %convert_element_type3A = arith.extui %lt3A_16 : i1 to i32
      %cond3A = arith.constant 0 : i32
      %cond3A_17 = arith.cmpi ne, %convert_element_type3A, %cond3A : i32
      scf.if %cond3A_17 {
        %mul3A_18 = arith.constant 80000 : i32
        %mul3A_19 = arith.muli %arg0, %mul3A_18 : i32
        %mul3A_20 = arith.constant 128 : i32
        %mul3A_21 = arith.muli %add3A, %mul3A_20 : i32
        %add3A_22 = arith.addi %mul3A_19, %mul3A_21 : i32
        "tpu.region"() ({
          %run_scoped3A = tpu.sem_alloc : memref<!tpu.dma_semaphore, #tpu.memory_space<semaphore_mem>>
          %dma_start3A = tpu.memref_slice %arg2[%add3A_22] : memref<160000xi32, #tpu.memory_space<hbm>> -> memref<128xi32, #tpu.memory_space<hbm>>
          %dma_start3A_23 = tpu.memref_slice %arg2[%add3A_22] : memref<160000xi32, #tpu.memory_space<hbm>> -> memref<128xi32, #tpu.memory_space<hbm>>
          tpu.enqueue_dma source(%dma_start3A_23 : memref<128xi32, #tpu.memory_space<hbm>>) target(%arg7 : memref<128xi32, #tpu.memory_space<vmem>>) target_semaphore(%run_scoped3A : memref<!tpu.dma_semaphore, #tpu.memory_space<semaphore_mem>>)
          %dma_wait3A = tpu.memref_slice %arg2[%add3A_22] : memref<160000xi32, #tpu.memory_space<hbm>> -> memref<128xi32, #tpu.memory_space<hbm>>
          %dma_wait3A_24 = tpu.memref_slice %arg2[%add3A_22] : memref<160000xi32, #tpu.memory_space<hbm>> -> memref<128xi32, #tpu.memory_space<hbm>>
          tpu.wait_dma2 semaphore(%run_scoped3A : memref<!tpu.dma_semaphore, #tpu.memory_space<semaphore_mem>>) src(%dma_wait3A_24 : memref<128xi32, #tpu.memory_space<hbm>>) dst(%arg7 : memref<128xi32, #tpu.memory_space<vmem>>)
          tpu.yield
        }) : () -> ()
        "tpu.region"() ({
          %run_scoped3A = tpu.sem_alloc : memref<!tpu.dma_semaphore, #tpu.memory_space<semaphore_mem>>
          %dma_start3A = tpu.memref_slice %arg3[%add3A_22] : memref<160000xi32, #tpu.memory_space<hbm>> -> memref<128xi32, #tpu.memory_space<hbm>>
          %dma_start3A_23 = tpu.memref_slice %arg3[%add3A_22] : memref<160000xi32, #tpu.memory_space<hbm>> -> memref<128xi32, #tpu.memory_space<hbm>>
          tpu.enqueue_dma source(%dma_start3A_23 : memref<128xi32, #tpu.memory_space<hbm>>) target(%arg8 : memref<128xi32, #tpu.memory_space<vmem>>) target_semaphore(%run_scoped3A : memref<!tpu.dma_semaphore, #tpu.memory_space<semaphore_mem>>)
          %dma_wait3A = tpu.memref_slice %arg3[%add3A_22] : memref<160000xi32, #tpu.memory_space<hbm>> -> memref<128xi32, #tpu.memory_space<hbm>>
          %dma_wait3A_24 = tpu.memref_slice %arg3[%add3A_22] : memref<160000xi32, #tpu.memory_space<hbm>> -> memref<128xi32, #tpu.memory_space<hbm>>
          tpu.wait_dma2 semaphore(%run_scoped3A : memref<!tpu.dma_semaphore, #tpu.memory_space<semaphore_mem>>) src(%dma_wait3A_24 : memref<128xi32, #tpu.memory_space<hbm>>) dst(%arg8 : memref<128xi32, #tpu.memory_space<vmem>>)
          tpu.yield
        }) : () -> ()
        "tpu.region"() ({
          %run_scoped3A = tpu.sem_alloc : memref<!tpu.dma_semaphore, #tpu.memory_space<semaphore_mem>>
          %dma_start3A = arith.constant 0 : i32
          %dma_start3A_23 = arith.constant 0 : i32
          %dma_start3A_24 = tpu.memref_slice %arg4[%dma_start3A, %dma_start3A_23] : memref<10000x128xf32, #tpu.memory_space<hbm>> -> memref<10000x128xf32, #tpu.memory_space<hbm>>
          tpu.enqueue_indirect_dma source(%dma_start3A_24 : memref<10000x128xf32, #tpu.memory_space<hbm>>) target(%arg9 : memref<128x128xf32, #tpu.memory_space<vmem>>) offsets(%arg7 : memref<128xi32, #tpu.memory_space<vmem>>) semaphore(%run_scoped3A : memref<!tpu.dma_semaphore, #tpu.memory_space<semaphore_mem>>)
          %dma_wait3A = arith.constant 0 : i32
          %dma_wait3A_25 = arith.constant 0 : i32
          %dma_wait3A_26 = tpu.memref_slice %arg4[%dma_wait3A, %dma_wait3A_25] : memref<10000x128xf32, #tpu.memory_space<hbm>> -> memref<10000x128xf32, #tpu.memory_space<hbm>>
          tpu.wait_indirect_dma semaphore(%run_scoped3A : memref<!tpu.dma_semaphore, #tpu.memory_space<semaphore_mem>>) src(%dma_wait3A_26 : memref<10000x128xf32, #tpu.memory_space<hbm>>) dst(%arg9 : memref<128x128xf32, #tpu.memory_space<vmem>>)
          tpu.yield
        }) : () -> ()
        "tpu.region"() ({
          %run_scoped3A = tpu.sem_alloc : memref<!tpu.dma_semaphore, #tpu.memory_space<semaphore_mem>>
          %dma_start3A = arith.constant 0 : i32
          %dma_start3A_23 = arith.constant 0 : i32
          %dma_start3A_24 = tpu.memref_slice %arg10[%dma_start3A, %dma_start3A_23] : memref<10240x128xf32, #tpu.memory_space<vmem_shared>> -> memref<10240x128xf32, #tpu.memory_space<vmem_shared>>
          tpu.enqueue_indirect_dma source(%arg9 : memref<128x128xf32, #tpu.memory_space<vmem>>) target(%dma_start3A_24 : memref<10240x128xf32, #tpu.memory_space<vmem_shared>>) offsets(%arg8 : memref<128xi32, #tpu.memory_space<vmem>>) semaphore(%run_scoped3A : memref<!tpu.dma_semaphore, #tpu.memory_space<semaphore_mem>>) {add = true}
          %dma_wait3A = arith.constant 0 : i32
          %dma_wait3A_25 = arith.constant 0 : i32
          %dma_wait3A_26 = tpu.memref_slice %arg10[%dma_wait3A, %dma_wait3A_25] : memref<10240x128xf32, #tpu.memory_space<vmem_shared>> -> memref<10240x128xf32, #tpu.memory_space<vmem_shared>>
          tpu.wait_indirect_dma semaphore(%run_scoped3A : memref<!tpu.dma_semaphore, #tpu.memory_space<semaphore_mem>>) src(%arg9 : memref<128x128xf32, #tpu.memory_space<vmem>>) dst(%dma_wait3A_26 : memref<10240x128xf32, #tpu.memory_space<vmem_shared>>)
          tpu.yield
        }) : () -> ()
      } else {
      }
    }
    %scan3A_7 = arith.constant 40 : i32
    %barrier3A_8 = arith.constant 0 : index
    tpu.barrier barrier_id(%barrier3A_8)
    %mul3A_9 = arith.constant 640 : i32
    %mul3A_10 = arith.muli %arg1, %mul3A_9 : i32
    %mul3A_11 = arith.constant 640 : i32
    %mul3A_12 = arith.muli %arg1, %mul3A_11 : i32
    "tpu.region"() ({
      %run_scoped3A = tpu.sem_alloc : memref<!tpu.dma_semaphore, #tpu.memory_space<semaphore_mem>>
      %dma_start3A = arith.constant 0 : i32
      %dma_start3A_13 = tpu.memref_slice %arg6[%arg0, %mul3A_12, %dma_start3A] : memref<2x10240x128xf32, #tpu.memory_space<hbm>> -> memref<1x640x128xf32, #tpu.memory_space<hbm>>
      %dma_start3A_14 = tpu.memref_squeeze %dma_start3A_13 : memref<1x640x128xf32, #tpu.memory_space<hbm>> -> memref<640x128xf32, #tpu.memory_space<hbm>>
      %dma_start3A_15 = arith.constant 0 : i32
      %dma_start3A_16 = tpu.memref_slice %arg10[%mul3A_10, %dma_start3A_15] : memref<10240x128xf32, #tpu.memory_space<vmem_shared>> -> memref<640x128xf32, #tpu.memory_space<vmem_shared>>
      tpu.enqueue_dma source(%dma_start3A_16 : memref<640x128xf32, #tpu.memory_space<vmem_shared>>) target(%dma_start3A_14 : memref<640x128xf32, #tpu.memory_space<hbm>>) target_semaphore(%run_scoped3A : memref<!tpu.dma_semaphore, #tpu.memory_space<semaphore_mem>>)
      %dma_wait3A = arith.constant 0 : i32
      %dma_wait3A_17 = tpu.memref_slice %arg6[%arg0, %mul3A_12, %dma_wait3A] : memref<2x10240x128xf32, #tpu.memory_space<hbm>> -> memref<1x640x128xf32, #tpu.memory_space<hbm>>
      %dma_wait3A_18 = tpu.memref_squeeze %dma_wait3A_17 : memref<1x640x128xf32, #tpu.memory_space<hbm>> -> memref<640x128xf32, #tpu.memory_space<hbm>>
      %dma_wait3A_19 = arith.constant 0 : i32
      %dma_wait3A_20 = tpu.memref_slice %arg10[%mul3A_10, %dma_wait3A_19] : memref<10240x128xf32, #tpu.memory_space<vmem_shared>> -> memref<640x128xf32, #tpu.memory_space<vmem_shared>>
      tpu.wait_dma2 semaphore(%run_scoped3A : memref<!tpu.dma_semaphore, #tpu.memory_space<semaphore_mem>>) src(%dma_wait3A_20 : memref<640x128xf32, #tpu.memory_space<vmem_shared>>) dst(%dma_wait3A_18 : memref<640x128xf32, #tpu.memory_space<hbm>>)
      tpu.yield
    }) : () -> ()
    return
  }
}

#map = affine_map<(d0, d1) -> (0)>
#map1 = affine_map<(d0, d1) -> (0, 0)>
#map2 = affine_map<(d0, d1) -> (0, 0, 0)>
module attributes {stable_mosaic.version = 14 : i64} {
  func.func @_deg_body(%arg0: i32, %arg1: i32, %arg2: memref<160000xi32, #tpu.memory_space<hbm>>, %arg3: memref<128x128xf32, #tpu.memory_space<hbm>>, %arg4: memref<10240x128xf32, #tpu.memory_space<hbm>>, %arg5: memref<2x10240x128xf32, #tpu.memory_space<hbm>>, %arg6: memref<128xi32, #tpu.memory_space<vmem>>, %arg7: memref<128x128xf32, #tpu.memory_space<vmem>>, %arg8: memref<10240x128xf32, #tpu.memory_space<vmem_shared>>) attributes {dimension_semantics = [#tpu.dimension_semantics<core_parallel>, #tpu.dimension_semantics<subcore_parallel>], iteration_bounds = array<i64: 2, 16>, scalar_prefetch = 0 : i64, scratch_operands = 3 : i64, tpu.core_type = #tpu.core_type<sc_vector_subcore>, window_params = [{transform_indices = #map}, {transform_indices = #map1}, {transform_indices = #map1}, {transform_indices = #map2}]} {
    %mul3A = arith.constant 640 : i32
    %mul3A_0 = arith.muli %arg1, %mul3A : i32
    %mul3A_1 = arith.constant 640 : i32
    %mul3A_2 = arith.muli %arg1, %mul3A_1 : i32
    "tpu.region"() ({
      %run_scoped3A = tpu.sem_alloc : memref<!tpu.dma_semaphore, #tpu.memory_space<semaphore_mem>>
      %dma_start3A = arith.constant 0 : i32
      %dma_start3A_13 = tpu.memref_slice %arg8[%mul3A_2, %dma_start3A] : memref<10240x128xf32, #tpu.memory_space<vmem_shared>> -> memref<640x128xf32, #tpu.memory_space<vmem_shared>>
      %dma_start3A_14 = arith.constant 0 : i32
      %dma_start3A_15 = tpu.memref_slice %arg4[%mul3A_0, %dma_start3A_14] : memref<10240x128xf32, #tpu.memory_space<hbm>> -> memref<640x128xf32, #tpu.memory_space<hbm>>
      tpu.enqueue_dma source(%dma_start3A_15 : memref<640x128xf32, #tpu.memory_space<hbm>>) target(%dma_start3A_13 : memref<640x128xf32, #tpu.memory_space<vmem_shared>>) target_semaphore(%run_scoped3A : memref<!tpu.dma_semaphore, #tpu.memory_space<semaphore_mem>>)
      %dma_wait3A = arith.constant 0 : i32
      %dma_wait3A_16 = tpu.memref_slice %arg8[%mul3A_2, %dma_wait3A] : memref<10240x128xf32, #tpu.memory_space<vmem_shared>> -> memref<640x128xf32, #tpu.memory_space<vmem_shared>>
      %dma_wait3A_17 = arith.constant 0 : i32
      %dma_wait3A_18 = tpu.memref_slice %arg4[%mul3A_0, %dma_wait3A_17] : memref<10240x128xf32, #tpu.memory_space<hbm>> -> memref<640x128xf32, #tpu.memory_space<hbm>>
      tpu.wait_dma2 semaphore(%run_scoped3A : memref<!tpu.dma_semaphore, #tpu.memory_space<semaphore_mem>>) src(%dma_wait3A_18 : memref<640x128xf32, #tpu.memory_space<hbm>>) dst(%dma_wait3A_16 : memref<640x128xf32, #tpu.memory_space<vmem_shared>>)
      tpu.yield
    }) : () -> ()
    "tpu.region"() ({
      %run_scoped3A = tpu.sem_alloc : memref<!tpu.dma_semaphore, #tpu.memory_space<semaphore_mem>>
      tpu.enqueue_dma source(%arg3 : memref<128x128xf32, #tpu.memory_space<hbm>>) target(%arg7 : memref<128x128xf32, #tpu.memory_space<vmem>>) target_semaphore(%run_scoped3A : memref<!tpu.dma_semaphore, #tpu.memory_space<semaphore_mem>>)
      tpu.wait_dma2 semaphore(%run_scoped3A : memref<!tpu.dma_semaphore, #tpu.memory_space<semaphore_mem>>) src(%arg3 : memref<128x128xf32, #tpu.memory_space<hbm>>) dst(%arg7 : memref<128x128xf32, #tpu.memory_space<vmem>>)
      tpu.yield
    }) : () -> ()
    %barrier3A = arith.constant 0 : index
    tpu.barrier barrier_id(%barrier3A)
    %scan3A = arith.constant 0 : i32
    %scan3A_3 = arith.constant 0 : i32
    %scan3A_4 = arith.constant 40 : i32
    %scan3A_5 = arith.addi %scan3A_3, %scan3A_4 : i32
    %scan3A_6 = arith.constant 1 : i32
    scf.for %scan3A_13 = %scan3A_3 to %scan3A_5 step %scan3A_6  : i32 {
      %mul3A_14 = arith.constant 16 : i32
      %mul3A_15 = arith.muli %mul3A_14, %scan3A_13 : i32
      %add3A = arith.addi %arg1, %mul3A_15 : i32
      %lt3A = arith.constant 625 : i32
      %lt3A_16 = arith.cmpi slt, %add3A, %lt3A : i32
      %convert_element_type3A = arith.extui %lt3A_16 : i1 to i32
      %cond3A = arith.constant 0 : i32
      %cond3A_17 = arith.cmpi ne, %convert_element_type3A, %cond3A : i32
      scf.if %cond3A_17 {
        %mul3A_18 = arith.constant 80000 : i32
        %mul3A_19 = arith.muli %arg0, %mul3A_18 : i32
        %mul3A_20 = arith.constant 128 : i32
        %mul3A_21 = arith.muli %add3A, %mul3A_20 : i32
        %add3A_22 = arith.addi %mul3A_19, %mul3A_21 : i32
        "tpu.region"() ({
          %run_scoped3A = tpu.sem_alloc : memref<!tpu.dma_semaphore, #tpu.memory_space<semaphore_mem>>
          %dma_start3A = tpu.memref_slice %arg2[%add3A_22] : memref<160000xi32, #tpu.memory_space<hbm>> -> memref<128xi32, #tpu.memory_space<hbm>>
          %dma_start3A_23 = tpu.memref_slice %arg2[%add3A_22] : memref<160000xi32, #tpu.memory_space<hbm>> -> memref<128xi32, #tpu.memory_space<hbm>>
          tpu.enqueue_dma source(%dma_start3A_23 : memref<128xi32, #tpu.memory_space<hbm>>) target(%arg6 : memref<128xi32, #tpu.memory_space<vmem>>) target_semaphore(%run_scoped3A : memref<!tpu.dma_semaphore, #tpu.memory_space<semaphore_mem>>)
          %dma_wait3A = tpu.memref_slice %arg2[%add3A_22] : memref<160000xi32, #tpu.memory_space<hbm>> -> memref<128xi32, #tpu.memory_space<hbm>>
          %dma_wait3A_24 = tpu.memref_slice %arg2[%add3A_22] : memref<160000xi32, #tpu.memory_space<hbm>> -> memref<128xi32, #tpu.memory_space<hbm>>
          tpu.wait_dma2 semaphore(%run_scoped3A : memref<!tpu.dma_semaphore, #tpu.memory_space<semaphore_mem>>) src(%dma_wait3A_24 : memref<128xi32, #tpu.memory_space<hbm>>) dst(%arg6 : memref<128xi32, #tpu.memory_space<vmem>>)
          tpu.yield
        }) : () -> ()
        "tpu.region"() ({
          %run_scoped3A = tpu.sem_alloc : memref<!tpu.dma_semaphore, #tpu.memory_space<semaphore_mem>>
          %dma_start3A = arith.constant 0 : i32
          %dma_start3A_23 = arith.constant 0 : i32
          %dma_start3A_24 = tpu.memref_slice %arg8[%dma_start3A, %dma_start3A_23] : memref<10240x128xf32, #tpu.memory_space<vmem_shared>> -> memref<10240x128xf32, #tpu.memory_space<vmem_shared>>
          tpu.enqueue_indirect_dma source(%arg7 : memref<128x128xf32, #tpu.memory_space<vmem>>) target(%dma_start3A_24 : memref<10240x128xf32, #tpu.memory_space<vmem_shared>>) offsets(%arg6 : memref<128xi32, #tpu.memory_space<vmem>>) semaphore(%run_scoped3A : memref<!tpu.dma_semaphore, #tpu.memory_space<semaphore_mem>>) {add = true}
          %dma_wait3A = arith.constant 0 : i32
          %dma_wait3A_25 = arith.constant 0 : i32
          %dma_wait3A_26 = tpu.memref_slice %arg8[%dma_wait3A, %dma_wait3A_25] : memref<10240x128xf32, #tpu.memory_space<vmem_shared>> -> memref<10240x128xf32, #tpu.memory_space<vmem_shared>>
          tpu.wait_indirect_dma semaphore(%run_scoped3A : memref<!tpu.dma_semaphore, #tpu.memory_space<semaphore_mem>>) src(%arg7 : memref<128x128xf32, #tpu.memory_space<vmem>>) dst(%dma_wait3A_26 : memref<10240x128xf32, #tpu.memory_space<vmem_shared>>)
          tpu.yield
        }) : () -> ()
      } else {
      }
    }
    %scan3A_7 = arith.constant 40 : i32
    %barrier3A_8 = arith.constant 0 : index
    tpu.barrier barrier_id(%barrier3A_8)
    %mul3A_9 = arith.constant 640 : i32
    %mul3A_10 = arith.muli %arg1, %mul3A_9 : i32
    %mul3A_11 = arith.constant 640 : i32
    %mul3A_12 = arith.muli %arg1, %mul3A_11 : i32
    "tpu.region"() ({
      %run_scoped3A = tpu.sem_alloc : memref<!tpu.dma_semaphore, #tpu.memory_space<semaphore_mem>>
      %dma_start3A = arith.constant 0 : i32
      %dma_start3A_13 = tpu.memref_slice %arg5[%arg0, %mul3A_12, %dma_start3A] : memref<2x10240x128xf32, #tpu.memory_space<hbm>> -> memref<1x640x128xf32, #tpu.memory_space<hbm>>
      %dma_start3A_14 = tpu.memref_squeeze %dma_start3A_13 : memref<1x640x128xf32, #tpu.memory_space<hbm>> -> memref<640x128xf32, #tpu.memory_space<hbm>>
      %dma_start3A_15 = arith.constant 0 : i32
      %dma_start3A_16 = tpu.memref_slice %arg8[%mul3A_10, %dma_start3A_15] : memref<10240x128xf32, #tpu.memory_space<vmem_shared>> -> memref<640x128xf32, #tpu.memory_space<vmem_shared>>
      tpu.enqueue_dma source(%dma_start3A_16 : memref<640x128xf32, #tpu.memory_space<vmem_shared>>) target(%dma_start3A_14 : memref<640x128xf32, #tpu.memory_space<hbm>>) target_semaphore(%run_scoped3A : memref<!tpu.dma_semaphore, #tpu.memory_space<semaphore_mem>>)
      %dma_wait3A = arith.constant 0 : i32
      %dma_wait3A_17 = tpu.memref_slice %arg5[%arg0, %mul3A_12, %dma_wait3A] : memref<2x10240x128xf32, #tpu.memory_space<hbm>> -> memref<1x640x128xf32, #tpu.memory_space<hbm>>
      %dma_wait3A_18 = tpu.memref_squeeze %dma_wait3A_17 : memref<1x640x128xf32, #tpu.memory_space<hbm>> -> memref<640x128xf32, #tpu.memory_space<hbm>>
      %dma_wait3A_19 = arith.constant 0 : i32
      %dma_wait3A_20 = tpu.memref_slice %arg8[%mul3A_10, %dma_wait3A_19] : memref<10240x128xf32, #tpu.memory_space<vmem_shared>> -> memref<640x128xf32, #tpu.memory_space<vmem_shared>>
      tpu.wait_dma2 semaphore(%run_scoped3A : memref<!tpu.dma_semaphore, #tpu.memory_space<semaphore_mem>>) src(%dma_wait3A_20 : memref<640x128xf32, #tpu.memory_space<vmem_shared>>) dst(%dma_wait3A_18 : memref<640x128xf32, #tpu.memory_space<hbm>>)
      tpu.yield
    }) : () -> ()
    return
  }
}

module attributes {stable_mosaic.version = 14 : i64} {
  func.func @_prep_body(%arg0: i32, %arg1: memref<2000x128xf32, #tpu.memory_space<vmem>>, %arg2: memref<128x64xf32, #tpu.memory_space<vmem>>, %arg3: memref<2x2000x128xf32, #tpu.memory_space<vmem>>, %arg4: memref<2000x128xf32, #tpu.memory_space<vmem>>, %arg5: memref<2000x64xf32, #tpu.memory_space<vmem>>) attributes {dimension_semantics = [#tpu.dimension_semantics<arbitrary>], iteration_bounds = array<i64: 5>, scalar_prefetch = 0 : i64, scratch_operands = 0 : i64, tpu.core_type = #tpu.core_type<tc>, window_params = [{transform_indices = @transform_0, window_bounds = array<i64: 2000, 128>}, {pipeline_mode = #tpu.pipeline_mode<synchronous>, transform_indices = @transform_1, window_bounds = array<i64: 128, 64>}, {transform_indices = @transform_2, window_bounds = array<i64: 2, 2000, 128>}, {transform_indices = @transform_3, window_bounds = array<i64: 2000, 128>}, {transform_indices = @transform_4, window_bounds = array<i64: 2000, 64>}]} {
    %get3A = arith.constant 0 : index
    %get3A_0 = arith.constant 0 : index
    %get3A_1 = vector.load %arg1[%get3A, %get3A_0] : memref<2000x128xf32, #tpu.memory_space<vmem>>, vector<2000x128xf32>
    %get3A_2 = arith.constant 0 : index
    %get3A_3 = arith.constant 0 : index
    %get3A_4 = vector.load %arg2[%get3A_2, %get3A_3] : memref<128x64xf32, #tpu.memory_space<vmem>>, vector<128x64xf32>
    %dot_general3A = arith.constant dense<0.000000e+00> : vector<2000x64xf32>
    %dot_general3A_5 = tpu.matmul %get3A_1, %get3A_4, %dot_general3A {dimension_numbers = #tpu.dot_dimension_numbers<[1], [0], [0], [1], [0, 0, 1, 1], [], []>, transpose_lhs_hint = false} : vector<2000x128xf32>, vector<128x64xf32>, vector<2000x64xf32> -> vector<2000x64xf32>
    %get3A_6 = arith.constant 0 : index
    %get3A_7 = arith.constant 0 : index
    %get3A_8 = arith.constant 0 : index
    %get3A_9 = vector.load %arg3[%get3A_6, %get3A_7, %get3A_8] : memref<2x2000x128xf32, #tpu.memory_space<vmem>>, vector<1x2000x1xf32>
    %get3A_10 = vector.shape_cast %get3A_9 : vector<1x2000x1xf32> to vector<2000xf32>
    %get3A_11 = arith.constant 1 : index
    %get3A_12 = arith.constant 0 : index
    %get3A_13 = arith.constant 0 : index
    %get3A_14 = vector.load %arg3[%get3A_11, %get3A_12, %get3A_13] : memref<2x2000x128xf32, #tpu.memory_space<vmem>>, vector<1x2000x1xf32>
    %get3A_15 = vector.shape_cast %get3A_14 : vector<1x2000x1xf32> to vector<2000xf32>
    %add3A = arith.addf %get3A_10, %get3A_15 : vector<2000xf32>
    %add3A_16 = arith.constant 1.000000e+00 : f32
    %add3A_17 = vector.broadcast %add3A_16 : f32 to vector<2000xf32>
    %add3A_18 = arith.addf %add3A, %add3A_17 : vector<2000xf32>
    %rsqrt3A = math.rsqrt %add3A_18 : vector<2000xf32>
    %broadcast_in_dim3A = vector.shape_cast %rsqrt3A : vector<2000xf32> to vector<2000x1xf32>
    %mul3A = vector.broadcast %broadcast_in_dim3A : vector<2000x1xf32> to vector<2000x64xf32>
    %mul3A_19 = arith.mulf %dot_general3A_5, %mul3A : vector<2000x64xf32>
    %broadcast_in_dim3A_20 = arith.constant 0.000000e+00 : f32
    %broadcast_in_dim3A_21 = vector.broadcast %broadcast_in_dim3A_20 : f32 to vector<2000x64xf32>
    %concatenate3A = tpu.concatenate %mul3A_19, %broadcast_in_dim3A_21 in 1 : vector<2000x64xf32>, vector<2000x64xf32> -> vector<2000x128xf32>
    %swap3A = arith.constant 0 : index
    %swap3A_22 = arith.constant 0 : index
    %swap3A_23 = vector.load %arg4[%swap3A, %swap3A_22] : memref<2000x128xf32, #tpu.memory_space<vmem>>, vector<2000x128xf32>
    tpu.vector_store %arg4[%swap3A, %swap3A_22], %concatenate3A {strides = array<i32>} : memref<2000x128xf32, #tpu.memory_space<vmem>>, vector<2000x128xf32>,
    %broadcast_in_dim3A_24 = vector.shape_cast %broadcast_in_dim3A : vector<2000x1xf32> to vector<2000x1xf32>
    %broadcast_in_dim3A_25 = vector.broadcast %broadcast_in_dim3A_24 : vector<2000x1xf32> to vector<2000x64xf32>
    %swap3A_26 = arith.constant 0 : index
    %swap3A_27 = arith.constant 0 : index
    %swap3A_28 = vector.load %arg5[%swap3A_26, %swap3A_27] : memref<2000x64xf32, #tpu.memory_space<vmem>>, vector<2000x64xf32>
    tpu.vector_store %arg5[%swap3A_26, %swap3A_27], %broadcast_in_dim3A_25 {strides = array<i32>} : memref<2000x64xf32, #tpu.memory_space<vmem>>, vector<2000x64xf32>,
    return
  }
  func.func @transform_0(%arg0: i32) -> (i32, i32) {
    %c0_i32 = arith.constant 0 : i32
    %c0_i32_0 = arith.constant 0 : i32
    return %arg0, %c0_i32 : i32, i32
  }
  func.func @transform_1(%arg0: i32) -> (i32, i32) {
    %c0_i32 = arith.constant 0 : i32
    %c0_i32_0 = arith.constant 0 : i32
    %c0_i32_1 = arith.constant 0 : i32
    return %c0_i32, %c0_i32_0 : i32, i32
  }
  func.func @transform_2(%arg0: i32) -> (i32, i32, i32) {
    %c0_i32 = arith.constant 0 : i32
    %c0_i32_0 = arith.constant 0 : i32
    %c0_i32_1 = arith.constant 0 : i32
    return %c0_i32, %arg0, %c0_i32_0 : i32, i32, i32
  }
  func.func @transform_3(%arg0: i32) -> (i32, i32) {
    %c0_i32 = arith.constant 0 : i32
    %c0_i32_0 = arith.constant 0 : i32
    return %arg0, %c0_i32 : i32, i32
  }
  func.func @transform_4(%arg0: i32) -> (i32, i32) {
    %c0_i32 = arith.constant 0 : i32
    %c0_i32_0 = arith.constant 0 : i32
    return %arg0, %c0_i32 : i32, i32
  }
}

module attributes {stable_mosaic.version = 14 : i64} {
  func.func @_gx_body(%arg0: i32, %arg1: memref<2x2000x64xf32, #tpu.memory_space<vmem>>, %arg2: memref<2000x64xf32, #tpu.memory_space<vmem>>, %arg3: memref<2000x64xf32, #tpu.memory_space<vmem>>, %arg4: memref<1x64xf32, #tpu.memory_space<vmem>>, %arg5: memref<4x64x64xf32, #tpu.memory_space<vmem>>, %arg6: memref<4x64xf32, #tpu.memory_space<vmem>>, %arg7: memref<2000x64xf32, #tpu.memory_space<vmem>>, %arg8: memref<2000x64xf32, #tpu.memory_space<vmem>>, %arg9: memref<2000x64xf32, #tpu.memory_space<vmem>>, %arg10: memref<2000x64xf32, #tpu.memory_space<vmem>>) attributes {dimension_semantics = [#tpu.dimension_semantics<arbitrary>], iteration_bounds = array<i64: 5>, scalar_prefetch = 0 : i64, scratch_operands = 0 : i64, tpu.core_type = #tpu.core_type<tc>, window_params = [{transform_indices = @transform_0, window_bounds = array<i64: 2, 2000, 64>}, {transform_indices = @transform_1, window_bounds = array<i64: 2000, 64>}, {transform_indices = @transform_2, window_bounds = array<i64: 2000, 64>}, {pipeline_mode = #tpu.pipeline_mode<synchronous>, transform_indices = @transform_3, window_bounds = array<i64: 1, 64>}, {pipeline_mode = #tpu.pipeline_mode<synchronous>, transform_indices = @transform_4, window_bounds = array<i64: 4, 64, 64>}, {pipeline_mode = #tpu.pipeline_mode<synchronous>, transform_indices = @transform_5, window_bounds = array<i64: 4, 64>}, {transform_indices = @transform_6, window_bounds = array<i64: 2000, 64>}, {transform_indices = @transform_7, window_bounds = array<i64: 2000, 64>}, {transform_indices = @transform_8, window_bounds = array<i64: 2000, 64>}, {transform_indices = @transform_9, window_bounds = array<i64: 2000, 64>}]} {
    %get3A = arith.constant 0 : index
    %get3A_0 = arith.constant 0 : index
    %get3A_1 = vector.load %arg3[%get3A, %get3A_0] : memref<2000x64xf32, #tpu.memory_space<vmem>>, vector<2000x64xf32>
    %get3A_2 = arith.constant 0 : index
    %get3A_3 = arith.constant 0 : index
    %get3A_4 = arith.constant 0 : index
    %get3A_5 = vector.load %arg1[%get3A_2, %get3A_3, %get3A_4] : memref<2x2000x64xf32, #tpu.memory_space<vmem>>, vector<1x2000x64xf32>
    %get3A_6 = vector.shape_cast %get3A_5 : vector<1x2000x64xf32> to vector<2000x64xf32>
    %get3A_7 = arith.constant 1 : index
    %get3A_8 = arith.constant 0 : index
    %get3A_9 = arith.constant 0 : index
    %get3A_10 = vector.load %arg1[%get3A_7, %get3A_8, %get3A_9] : memref<2x2000x64xf32, #tpu.memory_space<vmem>>, vector<1x2000x64xf32>
    %get3A_11 = vector.shape_cast %get3A_10 : vector<1x2000x64xf32> to vector<2000x64xf32>
    %add3A = arith.addf %get3A_6, %get3A_11 : vector<2000x64xf32>
    %get3A_12 = arith.constant 0 : index
    %get3A_13 = arith.constant 0 : index
    %get3A_14 = vector.load %arg2[%get3A_12, %get3A_13] : memref<2000x64xf32, #tpu.memory_space<vmem>>, vector<2000x64xf32>
    %add3A_15 = arith.addf %add3A, %get3A_14 : vector<2000x64xf32>
    %mul3A = arith.mulf %get3A_1, %add3A_15 : vector<2000x64xf32>
    %get3A_16 = arith.constant 0 : index
    %get3A_17 = arith.constant 0 : index
    %get3A_18 = vector.load %arg4[%get3A_16, %get3A_17] : memref<1x64xf32, #tpu.memory_space<vmem>>, vector<1x64xf32>
    %add3A_19 = vector.broadcast %get3A_18 : vector<1x64xf32> to vector<2000x64xf32>
    %add3A_20 = arith.addf %mul3A, %add3A_19 : vector<2000x64xf32>
    %get3A_21 = arith.constant 0 : index
    %get3A_22 = arith.constant 0 : index
    %get3A_23 = arith.constant 0 : index
    %get3A_24 = vector.load %arg5[%get3A_21, %get3A_22, %get3A_23] : memref<4x64x64xf32, #tpu.memory_space<vmem>>, vector<1x64x64xf32>
    %get3A_25 = vector.shape_cast %get3A_24 : vector<1x64x64xf32> to vector<64x64xf32>
    %dot_general3A = arith.constant dense<0.000000e+00> : vector<2000x64xf32>
    %dot_general3A_26 = tpu.matmul %add3A_20, %get3A_25, %dot_general3A {dimension_numbers = #tpu.dot_dimension_numbers<[1], [0], [0], [1], [0, 0, 1, 1], [], []>, transpose_lhs_hint = false} : vector<2000x64xf32>, vector<64x64xf32>, vector<2000x64xf32> -> vector<2000x64xf32>
    %get3A_27 = arith.constant 0 : index
    %get3A_28 = arith.constant 0 : index
    %get3A_29 = vector.load %arg6[%get3A_27, %get3A_28] : memref<4x64xf32, #tpu.memory_space<vmem>>, vector<1x64xf32>
    %add3A_30 = vector.broadcast %get3A_29 : vector<1x64xf32> to vector<2000x64xf32>
    %add3A_31 = arith.addf %dot_general3A_26, %add3A_30 : vector<2000x64xf32>
    %swap3A = arith.constant 0 : index
    %swap3A_32 = arith.constant 0 : index
    %swap3A_33 = vector.load %arg7[%swap3A, %swap3A_32] : memref<2000x64xf32, #tpu.memory_space<vmem>>, vector<2000x64xf32>
    tpu.vector_store %arg7[%swap3A, %swap3A_32], %add3A_31 {strides = array<i32>} : memref<2000x64xf32, #tpu.memory_space<vmem>>, vector<2000x64xf32>,
    %get3A_34 = arith.constant 1 : index
    %get3A_35 = arith.constant 0 : index
    %get3A_36 = arith.constant 0 : index
    %get3A_37 = vector.load %arg5[%get3A_34, %get3A_35, %get3A_36] : memref<4x64x64xf32, #tpu.memory_space<vmem>>, vector<1x64x64xf32>
    %get3A_38 = vector.shape_cast %get3A_37 : vector<1x64x64xf32> to vector<64x64xf32>
    %dot_general3A_39 = arith.constant dense<0.000000e+00> : vector<2000x64xf32>
    %dot_general3A_40 = tpu.matmul %add3A_20, %get3A_38, %dot_general3A_39 {dimension_numbers = #tpu.dot_dimension_numbers<[1], [0], [0], [1], [0, 0, 1, 1], [], []>, transpose_lhs_hint = false} : vector<2000x64xf32>, vector<64x64xf32>, vector<2000x64xf32> -> vector<2000x64xf32>
    %get3A_41 = arith.constant 1 : index
    %get3A_42 = arith.constant 0 : index
    %get3A_43 = vector.load %arg6[%get3A_41, %get3A_42] : memref<4x64xf32, #tpu.memory_space<vmem>>, vector<1x64xf32>
    %add3A_44 = vector.broadcast %get3A_43 : vector<1x64xf32> to vector<2000x64xf32>
    %add3A_45 = arith.addf %dot_general3A_40, %add3A_44 : vector<2000x64xf32>
    %swap3A_46 = arith.constant 0 : index
    %swap3A_47 = arith.constant 0 : index
    %swap3A_48 = vector.load %arg8[%swap3A_46, %swap3A_47] : memref<2000x64xf32, #tpu.memory_space<vmem>>, vector<2000x64xf32>
    tpu.vector_store %arg8[%swap3A_46, %swap3A_47], %add3A_45 {strides = array<i32>} : memref<2000x64xf32, #tpu.memory_space<vmem>>, vector<2000x64xf32>,
    %get3A_49 = arith.constant 2 : index
    %get3A_50 = arith.constant 0 : index
    %get3A_51 = arith.constant 0 : index
    %get3A_52 = vector.load %arg5[%get3A_49, %get3A_50, %get3A_51] : memref<4x64x64xf32, #tpu.memory_space<vmem>>, vector<1x64x64xf32>
    %get3A_53 = vector.shape_cast %get3A_52 : vector<1x64x64xf32> to vector<64x64xf32>
    %dot_general3A_54 = arith.constant dense<0.000000e+00> : vector<2000x64xf32>
    %dot_general3A_55 = tpu.matmul %add3A_20, %get3A_53, %dot_general3A_54 {dimension_numbers = #tpu.dot_dimension_numbers<[1], [0], [0], [1], [0, 0, 1, 1], [], []>, transpose_lhs_hint = false} : vector<2000x64xf32>, vector<64x64xf32>, vector<2000x64xf32> -> vector<2000x64xf32>
    %get3A_56 = arith.constant 2 : index
    %get3A_57 = arith.constant 0 : index
    %get3A_58 = vector.load %arg6[%get3A_56, %get3A_57] : memref<4x64xf32, #tpu.memory_space<vmem>>, vector<1x64xf32>
    %add3A_59 = vector.broadcast %get3A_58 : vector<1x64xf32> to vector<2000x64xf32>
    %add3A_60 = arith.addf %dot_general3A_55, %add3A_59 : vector<2000x64xf32>
    %swap3A_61 = arith.constant 0 : index
    %swap3A_62 = arith.constant 0 : index
    %swap3A_63 = vector.load %arg9[%swap3A_61, %swap3A_62] : memref<2000x64xf32, #tpu.memory_space<vmem>>, vector<2000x64xf32>
    tpu.vector_store %arg9[%swap3A_61, %swap3A_62], %add3A_60 {strides = array<i32>} : memref<2000x64xf32, #tpu.memory_space<vmem>>, vector<2000x64xf32>,
    %get3A_64 = arith.constant 3 : index
    %get3A_65 = arith.constant 0 : index
    %get3A_66 = arith.constant 0 : index
    %get3A_67 = vector.load %arg5[%get3A_64, %get3A_65, %get3A_66] : memref<4x64x64xf32, #tpu.memory_space<vmem>>, vector<1x64x64xf32>
    %get3A_68 = vector.shape_cast %get3A_67 : vector<1x64x64xf32> to vector<64x64xf32>
    %dot_general3A_69 = arith.constant dense<0.000000e+00> : vector<2000x64xf32>
    %dot_general3A_70 = tpu.matmul %add3A_20, %get3A_68, %dot_general3A_69 {dimension_numbers = #tpu.dot_dimension_numbers<[1], [0], [0], [1], [0, 0, 1, 1], [], []>, transpose_lhs_hint = false} : vector<2000x64xf32>, vector<64x64xf32>, vector<2000x64xf32> -> vector<2000x64xf32>
    %get3A_71 = arith.constant 3 : index
    %get3A_72 = arith.constant 0 : index
    %get3A_73 = vector.load %arg6[%get3A_71, %get3A_72] : memref<4x64xf32, #tpu.memory_space<vmem>>, vector<1x64xf32>
    %add3A_74 = vector.broadcast %get3A_73 : vector<1x64xf32> to vector<2000x64xf32>
    %add3A_75 = arith.addf %dot_general3A_70, %add3A_74 : vector<2000x64xf32>
    %swap3A_76 = arith.constant 0 : index
    %swap3A_77 = arith.constant 0 : index
    %swap3A_78 = vector.load %arg10[%swap3A_76, %swap3A_77] : memref<2000x64xf32, #tpu.memory_space<vmem>>, vector<2000x64xf32>
    tpu.vector_store %arg10[%swap3A_76, %swap3A_77], %add3A_75 {strides = array<i32>} : memref<2000x64xf32, #tpu.memory_space<vmem>>, vector<2000x64xf32>,
    return
  }
  func.func @transform_0(%arg0: i32) -> (i32, i32, i32) {
    %c0_i32 = arith.constant 0 : i32
    %c0_i32_0 = arith.constant 0 : i32
    %c0_i32_1 = arith.constant 0 : i32
    return %c0_i32, %arg0, %c0_i32_0 : i32, i32, i32
  }
  func.func @transform_1(%arg0: i32) -> (i32, i32) {
    %c0_i32 = arith.constant 0 : i32
    %c0_i32_0 = arith.constant 0 : i32
    return %arg0, %c0_i32 : i32, i32
  }
  func.func @transform_2(%arg0: i32) -> (i32, i32) {
    %c0_i32 = arith.constant 0 : i32
    %c0_i32_0 = arith.constant 0 : i32
    return %arg0, %c0_i32 : i32, i32
  }
  func.func @transform_3(%arg0: i32) -> (i32, i32) {
    %c0_i32 = arith.constant 0 : i32
    %c0_i32_0 = arith.constant 0 : i32
    %c0_i32_1 = arith.constant 0 : i32
    return %c0_i32, %c0_i32_0 : i32, i32
  }
  func.func @transform_4(%arg0: i32) -> (i32, i32, i32) {
    %c0_i32 = arith.constant 0 : i32
    %c0_i32_0 = arith.constant 0 : i32
    %c0_i32_1 = arith.constant 0 : i32
    %c0_i32_2 = arith.constant 0 : i32
    return %c0_i32, %c0_i32_0, %c0_i32_1 : i32, i32, i32
  }
  func.func @transform_5(%arg0: i32) -> (i32, i32) {
    %c0_i32 = arith.constant 0 : i32
    %c0_i32_0 = arith.constant 0 : i32
    %c0_i32_1 = arith.constant 0 : i32
    return %c0_i32, %c0_i32_0 : i32, i32
  }
  func.func @transform_6(%arg0: i32) -> (i32, i32) {
    %c0_i32 = arith.constant 0 : i32
    %c0_i32_0 = arith.constant 0 : i32
    return %arg0, %c0_i32 : i32, i32
  }
  func.func @transform_7(%arg0: i32) -> (i32, i32) {
    %c0_i32 = arith.constant 0 : i32
    %c0_i32_0 = arith.constant 0 : i32
    return %arg0, %c0_i32 : i32, i32
  }
  func.func @transform_8(%arg0: i32) -> (i32, i32) {
    %c0_i32 = arith.constant 0 : i32
    %c0_i32_0 = arith.constant 0 : i32
    return %arg0, %c0_i32 : i32, i32
  }
  func.func @transform_9(%arg0: i32) -> (i32, i32) {
    %c0_i32 = arith.constant 0 : i32
    %c0_i32_0 = arith.constant 0 : i32
    return %arg0, %c0_i32 : i32, i32
  }
}

module attributes {stable_mosaic.version = 14 : i64} {
  func.func @_final_body(%arg0: i32, %arg1: memref<200x64xf32, #tpu.memory_space<vmem>>, %arg2: memref<200x64xf32, #tpu.memory_space<vmem>>, %arg3: memref<200x64xf32, #tpu.memory_space<vmem>>, %arg4: memref<200x64xf32, #tpu.memory_space<vmem>>, %arg5: memref<4x64x64xf32, #tpu.memory_space<vmem>>, %arg6: memref<3x64xf32, #tpu.memory_space<vmem>>, %arg7: memref<1x3xf32, #tpu.memory_space<vmem>>, %arg8: memref<1x64xf32, #tpu.memory_space<vmem>>, %arg9: memref<1x64xf32, #tpu.memory_space<vmem>>, %arg10: memref<200x3xf32, #tpu.memory_space<vmem>>, %arg11: memref<1x64xf32, #tpu.memory_space<vmem>>, %arg12: memref<1x64xf32, #tpu.memory_space<vmem>>, %arg13: memref<200x64xf32, #tpu.memory_space<vmem>>, %arg14: memref<1x64xf32, #tpu.memory_space<vmem>>, %arg15: memref<1x64xf32, #tpu.memory_space<vmem>>) attributes {dimension_semantics = [#tpu.dimension_semantics<arbitrary>], iteration_bounds = array<i64: 50>, scalar_prefetch = 0 : i64, scratch_operands = 3 : i64, tpu.core_type = #tpu.core_type<tc>, window_params = [{transform_indices = @transform_0, window_bounds = array<i64: 200, 64>}, {transform_indices = @transform_1, window_bounds = array<i64: 200, 64>}, {transform_indices = @transform_2, window_bounds = array<i64: 200, 64>}, {transform_indices = @transform_3, window_bounds = array<i64: 200, 64>}, {pipeline_mode = #tpu.pipeline_mode<synchronous>, transform_indices = @transform_4, window_bounds = array<i64: 4, 64, 64>}, {pipeline_mode = #tpu.pipeline_mode<synchronous>, transform_indices = @transform_5, window_bounds = array<i64: 3, 64>}, {pipeline_mode = #tpu.pipeline_mode<synchronous>, transform_indices = @transform_6, window_bounds = array<i64: 1, 3>}, {pipeline_mode = #tpu.pipeline_mode<synchronous>, transform_indices = @transform_7, window_bounds = array<i64: 1, 64>}, {pipeline_mode = #tpu.pipeline_mode<synchronous>, transform_indices = @transform_8, window_bounds = array<i64: 1, 64>}, {transform_indices = @transform_9, window_bounds = array<i64: 200, 3>}, {pipeline_mode = #tpu.pipeline_mode<synchronous>, transform_indices = @transform_10, window_bounds = array<i64: 1, 64>}, {pipeline_mode = #tpu.pipeline_mode<synchronous>, transform_indices = @transform_11, window_bounds = array<i64: 1, 64>}]} {
    %eq3A = arith.constant 0 : i32
    %eq3A_0 = arith.cmpi eq, %arg0, %eq3A : i32
    %convert_element_type3A = arith.extui %eq3A_0 : i1 to i32
    %cond3A = arith.constant 0 : i32
    %cond3A_1 = arith.cmpi ne, %convert_element_type3A, %cond3A : i32
    scf.if %cond3A_1 {
      %get3A_57 = arith.constant 0 : index
      %get3A_58 = arith.constant 0 : index
      %get3A_59 = vector.load %arg8[%get3A_57, %get3A_58] : memref<1x64xf32, #tpu.memory_space<vmem>>, vector<1x64xf32>
      %swap3A_60 = arith.constant 0 : index
      %swap3A_61 = arith.constant 0 : index
      %swap3A_62 = vector.load %arg14[%swap3A_60, %swap3A_61] : memref<1x64xf32, #tpu.memory_space<vmem>>, vector<1x64xf32>
      tpu.vector_store %arg14[%swap3A_60, %swap3A_61], %get3A_59 {strides = array<i32>} : memref<1x64xf32, #tpu.memory_space<vmem>>, vector<1x64xf32>,
      %get3A_63 = arith.constant 0 : index
      %get3A_64 = arith.constant 0 : index
      %get3A_65 = vector.load %arg9[%get3A_63, %get3A_64] : memref<1x64xf32, #tpu.memory_space<vmem>>, vector<1x64xf32>
      %swap3A_66 = arith.constant 0 : index
      %swap3A_67 = arith.constant 0 : index
      %swap3A_68 = vector.load %arg15[%swap3A_66, %swap3A_67] : memref<1x64xf32, #tpu.memory_space<vmem>>, vector<1x64xf32>
      tpu.vector_store %arg15[%swap3A_66, %swap3A_67], %get3A_65 {strides = array<i32>} : memref<1x64xf32, #tpu.memory_space<vmem>>, vector<1x64xf32>,
    } else {
    }
    %get3A = arith.constant 0 : index
    %get3A_2 = arith.constant 0 : index
    %get3A_3 = arith.constant 0 : index
    %get3A_4 = vector.load %arg5[%get3A, %get3A_2, %get3A_3] : memref<4x64x64xf32, #tpu.memory_space<vmem>>, vector<1x64x64xf32>
    %get3A_5 = vector.shape_cast %get3A_4 : vector<1x64x64xf32> to vector<64x64xf32>
    %get3A_6 = arith.constant 1 : index
    %get3A_7 = arith.constant 0 : index
    %get3A_8 = arith.constant 0 : index
    %get3A_9 = vector.load %arg5[%get3A_6, %get3A_7, %get3A_8] : memref<4x64x64xf32, #tpu.memory_space<vmem>>, vector<1x64x64xf32>
    %get3A_10 = vector.shape_cast %get3A_9 : vector<1x64x64xf32> to vector<64x64xf32>
    %get3A_11 = arith.constant 2 : index
    %get3A_12 = arith.constant 0 : index
    %get3A_13 = arith.constant 0 : index
    %get3A_14 = vector.load %arg5[%get3A_11, %get3A_12, %get3A_13] : memref<4x64x64xf32, #tpu.memory_space<vmem>>, vector<1x64x64xf32>
    %get3A_15 = vector.shape_cast %get3A_14 : vector<1x64x64xf32> to vector<64x64xf32>
    %get3A_16 = arith.constant 3 : index
    %get3A_17 = arith.constant 0 : index
    %get3A_18 = arith.constant 0 : index
    %get3A_19 = vector.load %arg5[%get3A_16, %get3A_17, %get3A_18] : memref<4x64x64xf32, #tpu.memory_space<vmem>>, vector<1x64x64xf32>
    %get3A_20 = vector.shape_cast %get3A_19 : vector<1x64x64xf32> to vector<64x64xf32>
    %get3A_21 = arith.constant 0 : index
    %get3A_22 = arith.constant 0 : index
    %get3A_23 = vector.load %arg14[%get3A_21, %get3A_22] : memref<1x64xf32, #tpu.memory_space<vmem>>, vector<1x64xf32>
    %get3A_24 = arith.constant 0 : index
    %get3A_25 = arith.constant 0 : index
    %get3A_26 = vector.load %arg15[%get3A_24, %get3A_25] : memref<1x64xf32, #tpu.memory_space<vmem>>, vector<1x64xf32>
    %scan3A = arith.constant 0 : i32
    %scan3A_27 = arith.constant 200 : i32
    %scan3A_28 = arith.addi %scan3A, %scan3A_27 : i32
    %scan3A_29 = arith.constant 8 : i32
    %scan3A_30:2 = scf.for %scan3A_57 = %scan3A to %scan3A_28 step %scan3A_29 iter_args(%scan3A_58 = %get3A_23, %scan3A_59 = %get3A_26) -> (vector<1x64xf32>, vector<1x64xf32>)  : i32 {
      %get3A_60 = arith.index_cast %scan3A_57 : i32 to index
      %get3A_61 = arith.constant 0 : index
      %get3A_62 = vector.load %arg1[%get3A_60, %get3A_61] : memref<200x64xf32, #tpu.memory_space<vmem>>, vector<1x64xf32>
      %dot_general3A_63 = arith.constant dense<0.000000e+00> : vector<1x64xf32>
      %dot_general3A_64 = tpu.matmul %scan3A_58, %get3A_5, %dot_general3A_63 {dimension_numbers = #tpu.dot_dimension_numbers<[1], [0], [0], [1], [0, 0, 1, 1], [], []>, transpose_lhs_hint = false} : vector<1x64xf32>, vector<64x64xf32>, vector<1x64xf32> -> vector<1x64xf32>
      %add3A_65 = arith.addf %get3A_62, %dot_general3A_64 : vector<1x64xf32>
      %tanh3A = math.tanh %add3A_65 : vector<1x64xf32>
      %mul3A = arith.constant 5.000000e-01 : f32
      %mul3A_66 = vector.broadcast %mul3A : f32 to vector<1x64xf32>
      %mul3A_67 = arith.mulf %mul3A_66, %tanh3A : vector<1x64xf32>
      %add3A_68 = arith.constant 5.000000e-01 : f32
      %add3A_69 = vector.broadcast %add3A_68 : f32 to vector<1x64xf32>
      %add3A_70 = arith.addf %add3A_69, %mul3A_67 : vector<1x64xf32>
      %get3A_71 = arith.index_cast %scan3A_57 : i32 to index
      %get3A_72 = arith.constant 0 : index
      %get3A_73 = vector.load %arg2[%get3A_71, %get3A_72] : memref<200x64xf32, #tpu.memory_space<vmem>>, vector<1x64xf32>
      %dot_general3A_74 = arith.constant dense<0.000000e+00> : vector<1x64xf32>
      %dot_general3A_75 = tpu.matmul %scan3A_58, %get3A_10, %dot_general3A_74 {dimension_numbers = #tpu.dot_dimension_numbers<[1], [0], [0], [1], [0, 0, 1, 1], [], []>, transpose_lhs_hint = false} : vector<1x64xf32>, vector<64x64xf32>, vector<1x64xf32> -> vector<1x64xf32>
      %add3A_76 = arith.addf %get3A_73, %dot_general3A_75 : vector<1x64xf32>
      %tanh3A_77 = math.tanh %add3A_76 : vector<1x64xf32>
      %mul3A_78 = arith.constant 5.000000e-01 : f32
      %mul3A_79 = vector.broadcast %mul3A_78 : f32 to vector<1x64xf32>
      %mul3A_80 = arith.mulf %mul3A_79, %tanh3A_77 : vector<1x64xf32>
      %add3A_81 = arith.constant 5.000000e-01 : f32
      %add3A_82 = vector.broadcast %add3A_81 : f32 to vector<1x64xf32>
      %add3A_83 = arith.addf %add3A_82, %mul3A_80 : vector<1x64xf32>
      %get3A_84 = arith.index_cast %scan3A_57 : i32 to index
      %get3A_85 = arith.constant 0 : index
      %get3A_86 = vector.load %arg3[%get3A_84, %get3A_85] : memref<200x64xf32, #tpu.memory_space<vmem>>, vector<1x64xf32>
      %dot_general3A_87 = arith.constant dense<0.000000e+00> : vector<1x64xf32>
      %dot_general3A_88 = tpu.matmul %scan3A_58, %get3A_15, %dot_general3A_87 {dimension_numbers = #tpu.dot_dimension_numbers<[1], [0], [0], [1], [0, 0, 1, 1], [], []>, transpose_lhs_hint = false} : vector<1x64xf32>, vector<64x64xf32>, vector<1x64xf32> -> vector<1x64xf32>
      %add3A_89 = arith.addf %get3A_86, %dot_general3A_88 : vector<1x64xf32>
      %tanh3A_90 = math.tanh %add3A_89 : vector<1x64xf32>
      %get3A_91 = arith.index_cast %scan3A_57 : i32 to index
      %get3A_92 = arith.constant 0 : index
      %get3A_93 = vector.load %arg4[%get3A_91, %get3A_92] : memref<200x64xf32, #tpu.memory_space<vmem>>, vector<1x64xf32>
      %dot_general3A_94 = arith.constant dense<0.000000e+00> : vector<1x64xf32>
      %dot_general3A_95 = tpu.matmul %scan3A_58, %get3A_20, %dot_general3A_94 {dimension_numbers = #tpu.dot_dimension_numbers<[1], [0], [0], [1], [0, 0, 1, 1], [], []>, transpose_lhs_hint = false} : vector<1x64xf32>, vector<64x64xf32>, vector<1x64xf32> -> vector<1x64xf32>
      %add3A_96 = arith.addf %get3A_93, %dot_general3A_95 : vector<1x64xf32>
      %tanh3A_97 = math.tanh %add3A_96 : vector<1x64xf32>
      %mul3A_98 = arith.constant 5.000000e-01 : f32
      %mul3A_99 = vector.broadcast %mul3A_98 : f32 to vector<1x64xf32>
      %mul3A_100 = arith.mulf %mul3A_99, %tanh3A_97 : vector<1x64xf32>
      %add3A_101 = arith.constant 5.000000e-01 : f32
      %add3A_102 = vector.broadcast %add3A_101 : f32 to vector<1x64xf32>
      %add3A_103 = arith.addf %add3A_102, %mul3A_100 : vector<1x64xf32>
      %mul3A_104 = arith.mulf %add3A_83, %scan3A_59 : vector<1x64xf32>
      %mul3A_105 = arith.mulf %add3A_70, %tanh3A_90 : vector<1x64xf32>
      %add3A_106 = arith.addf %mul3A_104, %mul3A_105 : vector<1x64xf32>
      %tanh3A_107 = math.tanh %add3A_106 : vector<1x64xf32>
      %mul3A_108 = arith.mulf %add3A_103, %tanh3A_107 : vector<1x64xf32>
      %swap3A_109 = arith.index_cast %scan3A_57 : i32 to index
      %swap3A_110 = arith.constant 0 : index
      %swap3A_111 = vector.load %arg13[%swap3A_109, %swap3A_110] : memref<200x64xf32, #tpu.memory_space<vmem>>, vector<1x64xf32>
      tpu.vector_store %arg13[%swap3A_109, %swap3A_110], %mul3A_108 {strides = array<i32>} : memref<200x64xf32, #tpu.memory_space<vmem>>, vector<1x64xf32>,
      %scan3A_112 = arith.constant 1 : i32
      %scan3A_113 = arith.addi %scan3A_57, %scan3A_112 : i32
      %get3A_114 = arith.index_cast %scan3A_113 : i32 to index
      %get3A_115 = arith.constant 0 : index
      %get3A_116 = vector.load %arg1[%get3A_114, %get3A_115] : memref<200x64xf32, #tpu.memory_space<vmem>>, vector<1x64xf32>
      %dot_general3A_117 = arith.constant dense<0.000000e+00> : vector<1x64xf32>
      %dot_general3A_118 = tpu.matmul %mul3A_108, %get3A_5, %dot_general3A_117 {dimension_numbers = #tpu.dot_dimension_numbers<[1], [0], [0], [1], [0, 0, 1, 1], [], []>, transpose_lhs_hint = false} : vector<1x64xf32>, vector<64x64xf32>, vector<1x64xf32> -> vector<1x64xf32>
      %add3A_119 = arith.addf %get3A_116, %dot_general3A_118 : vector<1x64xf32>
      %tanh3A_120 = math.tanh %add3A_119 : vector<1x64xf32>
      %mul3A_121 = arith.constant 5.000000e-01 : f32
      %mul3A_122 = vector.broadcast %mul3A_121 : f32 to vector<1x64xf32>
      %mul3A_123 = arith.mulf %mul3A_122, %tanh3A_120 : vector<1x64xf32>
      %add3A_124 = arith.constant 5.000000e-01 : f32
      %add3A_125 = vector.broadcast %add3A_124 : f32 to vector<1x64xf32>
      %add3A_126 = arith.addf %add3A_125, %mul3A_123 : vector<1x64xf32>
      %get3A_127 = arith.index_cast %scan3A_113 : i32 to index
      %get3A_128 = arith.constant 0 : index
      %get3A_129 = vector.load %arg2[%get3A_127, %get3A_128] : memref<200x64xf32, #tpu.memory_space<vmem>>, vector<1x64xf32>
      %dot_general3A_130 = arith.constant dense<0.000000e+00> : vector<1x64xf32>
      %dot_general3A_131 = tpu.matmul %mul3A_108, %get3A_10, %dot_general3A_130 {dimension_numbers = #tpu.dot_dimension_numbers<[1], [0], [0], [1], [0, 0, 1, 1], [], []>, transpose_lhs_hint = false} : vector<1x64xf32>, vector<64x64xf32>, vector<1x64xf32> -> vector<1x64xf32>
      %add3A_132 = arith.addf %get3A_129, %dot_general3A_131 : vector<1x64xf32>
      %tanh3A_133 = math.tanh %add3A_132 : vector<1x64xf32>
      %mul3A_134 = arith.constant 5.000000e-01 : f32
      %mul3A_135 = vector.broadcast %mul3A_134 : f32 to vector<1x64xf32>
      %mul3A_136 = arith.mulf %mul3A_135, %tanh3A_133 : vector<1x64xf32>
      %add3A_137 = arith.constant 5.000000e-01 : f32
      %add3A_138 = vector.broadcast %add3A_137 : f32 to vector<1x64xf32>
      %add3A_139 = arith.addf %add3A_138, %mul3A_136 : vector<1x64xf32>
      %get3A_140 = arith.index_cast %scan3A_113 : i32 to index
      %get3A_141 = arith.constant 0 : index
      %get3A_142 = vector.load %arg3[%get3A_140, %get3A_141] : memref<200x64xf32, #tpu.memory_space<vmem>>, vector<1x64xf32>
      %dot_general3A_143 = arith.constant dense<0.000000e+00> : vector<1x64xf32>
      %dot_general3A_144 = tpu.matmul %mul3A_108, %get3A_15, %dot_general3A_143 {dimension_numbers = #tpu.dot_dimension_numbers<[1], [0], [0], [1], [0, 0, 1, 1], [], []>, transpose_lhs_hint = false} : vector<1x64xf32>, vector<64x64xf32>, vector<1x64xf32> -> vector<1x64xf32>
      %add3A_145 = arith.addf %get3A_142, %dot_general3A_144 : vector<1x64xf32>
      %tanh3A_146 = math.tanh %add3A_145 : vector<1x64xf32>
      %get3A_147 = arith.index_cast %scan3A_113 : i32 to index
      %get3A_148 = arith.constant 0 : index
      %get3A_149 = vector.load %arg4[%get3A_147, %get3A_148] : memref<200x64xf32, #tpu.memory_space<vmem>>, vector<1x64xf32>
      %dot_general3A_150 = arith.constant dense<0.000000e+00> : vector<1x64xf32>
      %dot_general3A_151 = tpu.matmul %mul3A_108, %get3A_20, %dot_general3A_150 {dimension_numbers = #tpu.dot_dimension_numbers<[1], [0], [0], [1], [0, 0, 1, 1], [], []>, transpose_lhs_hint = false} : vector<1x64xf32>, vector<64x64xf32>, vector<1x64xf32> -> vector<1x64xf32>
      %add3A_152 = arith.addf %get3A_149, %dot_general3A_151 : vector<1x64xf32>
      %tanh3A_153 = math.tanh %add3A_152 : vector<1x64xf32>
      %mul3A_154 = arith.constant 5.000000e-01 : f32
      %mul3A_155 = vector.broadcast %mul3A_154 : f32 to vector<1x64xf32>
      %mul3A_156 = arith.mulf %mul3A_155, %tanh3A_153 : vector<1x64xf32>
      %add3A_157 = arith.constant 5.000000e-01 : f32
      %add3A_158 = vector.broadcast %add3A_157 : f32 to vector<1x64xf32>
      %add3A_159 = arith.addf %add3A_158, %mul3A_156 : vector<1x64xf32>
      %mul3A_160 = arith.mulf %add3A_139, %add3A_106 : vector<1x64xf32>
      %mul3A_161 = arith.mulf %add3A_126, %tanh3A_146 : vector<1x64xf32>
      %add3A_162 = arith.addf %mul3A_160, %mul3A_161 : vector<1x64xf32>
      %tanh3A_163 = math.tanh %add3A_162 : vector<1x64xf32>
      %mul3A_164 = arith.mulf %add3A_159, %tanh3A_163 : vector<1x64xf32>
      %swap3A_165 = arith.index_cast %scan3A_113 : i32 to index
      %swap3A_166 = arith.constant 0 : index
      %swap3A_167 = vector.load %arg13[%swap3A_165, %swap3A_166] : memref<200x64xf32, #tpu.memory_space<vmem>>, vector<1x64xf32>
      tpu.vector_store %arg13[%swap3A_165, %swap3A_166], %mul3A_164 {strides = array<i32>} : memref<200x64xf32, #tpu.memory_space<vmem>>, vector<1x64xf32>,
      %scan3A_168 = arith.constant 2 : i32
      %scan3A_169 = arith.addi %scan3A_57, %scan3A_168 : i32
      %get3A_170 = arith.index_cast %scan3A_169 : i32 to index
      %get3A_171 = arith.constant 0 : index
      %get3A_172 = vector.load %arg1[%get3A_170, %get3A_171] : memref<200x64xf32, #tpu.memory_space<vmem>>, vector<1x64xf32>
      %dot_general3A_173 = arith.constant dense<0.000000e+00> : vector<1x64xf32>
      %dot_general3A_174 = tpu.matmul %mul3A_164, %get3A_5, %dot_general3A_173 {dimension_numbers = #tpu.dot_dimension_numbers<[1], [0], [0], [1], [0, 0, 1, 1], [], []>, transpose_lhs_hint = false} : vector<1x64xf32>, vector<64x64xf32>, vector<1x64xf32> -> vector<1x64xf32>
      %add3A_175 = arith.addf %get3A_172, %dot_general3A_174 : vector<1x64xf32>
      %tanh3A_176 = math.tanh %add3A_175 : vector<1x64xf32>
      %mul3A_177 = arith.constant 5.000000e-01 : f32
      %mul3A_178 = vector.broadcast %mul3A_177 : f32 to vector<1x64xf32>
      %mul3A_179 = arith.mulf %mul3A_178, %tanh3A_176 : vector<1x64xf32>
      %add3A_180 = arith.constant 5.000000e-01 : f32
      %add3A_181 = vector.broadcast %add3A_180 : f32 to vector<1x64xf32>
      %add3A_182 = arith.addf %add3A_181, %mul3A_179 : vector<1x64xf32>
      %get3A_183 = arith.index_cast %scan3A_169 : i32 to index
      %get3A_184 = arith.constant 0 : index
      %get3A_185 = vector.load %arg2[%get3A_183, %get3A_184] : memref<200x64xf32, #tpu.memory_space<vmem>>, vector<1x64xf32>
      %dot_general3A_186 = arith.constant dense<0.000000e+00> : vector<1x64xf32>
      %dot_general3A_187 = tpu.matmul %mul3A_164, %get3A_10, %dot_general3A_186 {dimension_numbers = #tpu.dot_dimension_numbers<[1], [0], [0], [1], [0, 0, 1, 1], [], []>, transpose_lhs_hint = false} : vector<1x64xf32>, vector<64x64xf32>, vector<1x64xf32> -> vector<1x64xf32>
      %add3A_188 = arith.addf %get3A_185, %dot_general3A_187 : vector<1x64xf32>
      %tanh3A_189 = math.tanh %add3A_188 : vector<1x64xf32>
      %mul3A_190 = arith.constant 5.000000e-01 : f32
      %mul3A_191 = vector.broadcast %mul3A_190 : f32 to vector<1x64xf32>
      %mul3A_192 = arith.mulf %mul3A_191, %tanh3A_189 : vector<1x64xf32>
      %add3A_193 = arith.constant 5.000000e-01 : f32
      %add3A_194 = vector.broadcast %add3A_193 : f32 to vector<1x64xf32>
      %add3A_195 = arith.addf %add3A_194, %mul3A_192 : vector<1x64xf32>
      %get3A_196 = arith.index_cast %scan3A_169 : i32 to index
      %get3A_197 = arith.constant 0 : index
      %get3A_198 = vector.load %arg3[%get3A_196, %get3A_197] : memref<200x64xf32, #tpu.memory_space<vmem>>, vector<1x64xf32>
      %dot_general3A_199 = arith.constant dense<0.000000e+00> : vector<1x64xf32>
      %dot_general3A_200 = tpu.matmul %mul3A_164, %get3A_15, %dot_general3A_199 {dimension_numbers = #tpu.dot_dimension_numbers<[1], [0], [0], [1], [0, 0, 1, 1], [], []>, transpose_lhs_hint = false} : vector<1x64xf32>, vector<64x64xf32>, vector<1x64xf32> -> vector<1x64xf32>
      %add3A_201 = arith.addf %get3A_198, %dot_general3A_200 : vector<1x64xf32>
      %tanh3A_202 = math.tanh %add3A_201 : vector<1x64xf32>
      %get3A_203 = arith.index_cast %scan3A_169 : i32 to index
      %get3A_204 = arith.constant 0 : index
      %get3A_205 = vector.load %arg4[%get3A_203, %get3A_204] : memref<200x64xf32, #tpu.memory_space<vmem>>, vector<1x64xf32>
      %dot_general3A_206 = arith.constant dense<0.000000e+00> : vector<1x64xf32>
      %dot_general3A_207 = tpu.matmul %mul3A_164, %get3A_20, %dot_general3A_206 {dimension_numbers = #tpu.dot_dimension_numbers<[1], [0], [0], [1], [0, 0, 1, 1], [], []>, transpose_lhs_hint = false} : vector<1x64xf32>, vector<64x64xf32>, vector<1x64xf32> -> vector<1x64xf32>
      %add3A_208 = arith.addf %get3A_205, %dot_general3A_207 : vector<1x64xf32>
      %tanh3A_209 = math.tanh %add3A_208 : vector<1x64xf32>
      %mul3A_210 = arith.constant 5.000000e-01 : f32
      %mul3A_211 = vector.broadcast %mul3A_210 : f32 to vector<1x64xf32>
      %mul3A_212 = arith.mulf %mul3A_211, %tanh3A_209 : vector<1x64xf32>
      %add3A_213 = arith.constant 5.000000e-01 : f32
      %add3A_214 = vector.broadcast %add3A_213 : f32 to vector<1x64xf32>
      %add3A_215 = arith.addf %add3A_214, %mul3A_212 : vector<1x64xf32>
      %mul3A_216 = arith.mulf %add3A_195, %add3A_162 : vector<1x64xf32>
      %mul3A_217 = arith.mulf %add3A_182, %tanh3A_202 : vector<1x64xf32>
      %add3A_218 = arith.addf %mul3A_216, %mul3A_217 : vector<1x64xf32>
      %tanh3A_219 = math.tanh %add3A_218 : vector<1x64xf32>
      %mul3A_220 = arith.mulf %add3A_215, %tanh3A_219 : vector<1x64xf32>
      %swap3A_221 = arith.index_cast %scan3A_169 : i32 to index
      %swap3A_222 = arith.constant 0 : index
      %swap3A_223 = vector.load %arg13[%swap3A_221, %swap3A_222] : memref<200x64xf32, #tpu.memory_space<vmem>>, vector<1x64xf32>
      tpu.vector_store %arg13[%swap3A_221, %swap3A_222], %mul3A_220 {strides = array<i32>} : memref<200x64xf32, #tpu.memory_space<vmem>>, vector<1x64xf32>,
      %scan3A_224 = arith.constant 3 : i32
      %scan3A_225 = arith.addi %scan3A_57, %scan3A_224 : i32
      %get3A_226 = arith.index_cast %scan3A_225 : i32 to index
      %get3A_227 = arith.constant 0 : index
      %get3A_228 = vector.load %arg1[%get3A_226, %get3A_227] : memref<200x64xf32, #tpu.memory_space<vmem>>, vector<1x64xf32>
      %dot_general3A_229 = arith.constant dense<0.000000e+00> : vector<1x64xf32>
      %dot_general3A_230 = tpu.matmul %mul3A_220, %get3A_5, %dot_general3A_229 {dimension_numbers = #tpu.dot_dimension_numbers<[1], [0], [0], [1], [0, 0, 1, 1], [], []>, transpose_lhs_hint = false} : vector<1x64xf32>, vector<64x64xf32>, vector<1x64xf32> -> vector<1x64xf32>
      %add3A_231 = arith.addf %get3A_228, %dot_general3A_230 : vector<1x64xf32>
      %tanh3A_232 = math.tanh %add3A_231 : vector<1x64xf32>
      %mul3A_233 = arith.constant 5.000000e-01 : f32
      %mul3A_234 = vector.broadcast %mul3A_233 : f32 to vector<1x64xf32>
      %mul3A_235 = arith.mulf %mul3A_234, %tanh3A_232 : vector<1x64xf32>
      %add3A_236 = arith.constant 5.000000e-01 : f32
      %add3A_237 = vector.broadcast %add3A_236 : f32 to vector<1x64xf32>
      %add3A_238 = arith.addf %add3A_237, %mul3A_235 : vector<1x64xf32>
      %get3A_239 = arith.index_cast %scan3A_225 : i32 to index
      %get3A_240 = arith.constant 0 : index
      %get3A_241 = vector.load %arg2[%get3A_239, %get3A_240] : memref<200x64xf32, #tpu.memory_space<vmem>>, vector<1x64xf32>
      %dot_general3A_242 = arith.constant dense<0.000000e+00> : vector<1x64xf32>
      %dot_general3A_243 = tpu.matmul %mul3A_220, %get3A_10, %dot_general3A_242 {dimension_numbers = #tpu.dot_dimension_numbers<[1], [0], [0], [1], [0, 0, 1, 1], [], []>, transpose_lhs_hint = false} : vector<1x64xf32>, vector<64x64xf32>, vector<1x64xf32> -> vector<1x64xf32>
      %add3A_244 = arith.addf %get3A_241, %dot_general3A_243 : vector<1x64xf32>
      %tanh3A_245 = math.tanh %add3A_244 : vector<1x64xf32>
      %mul3A_246 = arith.constant 5.000000e-01 : f32
      %mul3A_247 = vector.broadcast %mul3A_246 : f32 to vector<1x64xf32>
      %mul3A_248 = arith.mulf %mul3A_247, %tanh3A_245 : vector<1x64xf32>
      %add3A_249 = arith.constant 5.000000e-01 : f32
      %add3A_250 = vector.broadcast %add3A_249 : f32 to vector<1x64xf32>
      %add3A_251 = arith.addf %add3A_250, %mul3A_248 : vector<1x64xf32>
      %get3A_252 = arith.index_cast %scan3A_225 : i32 to index
      %get3A_253 = arith.constant 0 : index
      %get3A_254 = vector.load %arg3[%get3A_252, %get3A_253] : memref<200x64xf32, #tpu.memory_space<vmem>>, vector<1x64xf32>
      %dot_general3A_255 = arith.constant dense<0.000000e+00> : vector<1x64xf32>
      %dot_general3A_256 = tpu.matmul %mul3A_220, %get3A_15, %dot_general3A_255 {dimension_numbers = #tpu.dot_dimension_numbers<[1], [0], [0], [1], [0, 0, 1, 1], [], []>, transpose_lhs_hint = false} : vector<1x64xf32>, vector<64x64xf32>, vector<1x64xf32> -> vector<1x64xf32>
      %add3A_257 = arith.addf %get3A_254, %dot_general3A_256 : vector<1x64xf32>
      %tanh3A_258 = math.tanh %add3A_257 : vector<1x64xf32>
      %get3A_259 = arith.index_cast %scan3A_225 : i32 to index
      %get3A_260 = arith.constant 0 : index
      %get3A_261 = vector.load %arg4[%get3A_259, %get3A_260] : memref<200x64xf32, #tpu.memory_space<vmem>>, vector<1x64xf32>
      %dot_general3A_262 = arith.constant dense<0.000000e+00> : vector<1x64xf32>
      %dot_general3A_263 = tpu.matmul %mul3A_220, %get3A_20, %dot_general3A_262 {dimension_numbers = #tpu.dot_dimension_numbers<[1], [0], [0], [1], [0, 0, 1, 1], [], []>, transpose_lhs_hint = false} : vector<1x64xf32>, vector<64x64xf32>, vector<1x64xf32> -> vector<1x64xf32>
      %add3A_264 = arith.addf %get3A_261, %dot_general3A_263 : vector<1x64xf32>
      %tanh3A_265 = math.tanh %add3A_264 : vector<1x64xf32>
      %mul3A_266 = arith.constant 5.000000e-01 : f32
      %mul3A_267 = vector.broadcast %mul3A_266 : f32 to vector<1x64xf32>
      %mul3A_268 = arith.mulf %mul3A_267, %tanh3A_265 : vector<1x64xf32>
      %add3A_269 = arith.constant 5.000000e-01 : f32
      %add3A_270 = vector.broadcast %add3A_269 : f32 to vector<1x64xf32>
      %add3A_271 = arith.addf %add3A_270, %mul3A_268 : vector<1x64xf32>
      %mul3A_272 = arith.mulf %add3A_251, %add3A_218 : vector<1x64xf32>
      %mul3A_273 = arith.mulf %add3A_238, %tanh3A_258 : vector<1x64xf32>
      %add3A_274 = arith.addf %mul3A_272, %mul3A_273 : vector<1x64xf32>
      %tanh3A_275 = math.tanh %add3A_274 : vector<1x64xf32>
      %mul3A_276 = arith.mulf %add3A_271, %tanh3A_275 : vector<1x64xf32>
      %swap3A_277 = arith.index_cast %scan3A_225 : i32 to index
      %swap3A_278 = arith.constant 0 : index
      %swap3A_279 = vector.load %arg13[%swap3A_277, %swap3A_278] : memref<200x64xf32, #tpu.memory_space<vmem>>, vector<1x64xf32>
      tpu.vector_store %arg13[%swap3A_277, %swap3A_278], %mul3A_276 {strides = array<i32>} : memref<200x64xf32, #tpu.memory_space<vmem>>, vector<1x64xf32>,
      %scan3A_280 = arith.constant 4 : i32
      %scan3A_281 = arith.addi %scan3A_57, %scan3A_280 : i32
      %get3A_282 = arith.index_cast %scan3A_281 : i32 to index
      %get3A_283 = arith.constant 0 : index
      %get3A_284 = vector.load %arg1[%get3A_282, %get3A_283] : memref<200x64xf32, #tpu.memory_space<vmem>>, vector<1x64xf32>
      %dot_general3A_285 = arith.constant dense<0.000000e+00> : vector<1x64xf32>
      %dot_general3A_286 = tpu.matmul %mul3A_276, %get3A_5, %dot_general3A_285 {dimension_numbers = #tpu.dot_dimension_numbers<[1], [0], [0], [1], [0, 0, 1, 1], [], []>, transpose_lhs_hint = false} : vector<1x64xf32>, vector<64x64xf32>, vector<1x64xf32> -> vector<1x64xf32>
      %add3A_287 = arith.addf %get3A_284, %dot_general3A_286 : vector<1x64xf32>
      %tanh3A_288 = math.tanh %add3A_287 : vector<1x64xf32>
      %mul3A_289 = arith.constant 5.000000e-01 : f32
      %mul3A_290 = vector.broadcast %mul3A_289 : f32 to vector<1x64xf32>
      %mul3A_291 = arith.mulf %mul3A_290, %tanh3A_288 : vector<1x64xf32>
      %add3A_292 = arith.constant 5.000000e-01 : f32
      %add3A_293 = vector.broadcast %add3A_292 : f32 to vector<1x64xf32>
      %add3A_294 = arith.addf %add3A_293, %mul3A_291 : vector<1x64xf32>
      %get3A_295 = arith.index_cast %scan3A_281 : i32 to index
      %get3A_296 = arith.constant 0 : index
      %get3A_297 = vector.load %arg2[%get3A_295, %get3A_296] : memref<200x64xf32, #tpu.memory_space<vmem>>, vector<1x64xf32>
      %dot_general3A_298 = arith.constant dense<0.000000e+00> : vector<1x64xf32>
      %dot_general3A_299 = tpu.matmul %mul3A_276, %get3A_10, %dot_general3A_298 {dimension_numbers = #tpu.dot_dimension_numbers<[1], [0], [0], [1], [0, 0, 1, 1], [], []>, transpose_lhs_hint = false} : vector<1x64xf32>, vector<64x64xf32>, vector<1x64xf32> -> vector<1x64xf32>
      %add3A_300 = arith.addf %get3A_297, %dot_general3A_299 : vector<1x64xf32>
      %tanh3A_301 = math.tanh %add3A_300 : vector<1x64xf32>
      %mul3A_302 = arith.constant 5.000000e-01 : f32
      %mul3A_303 = vector.broadcast %mul3A_302 : f32 to vector<1x64xf32>
      %mul3A_304 = arith.mulf %mul3A_303, %tanh3A_301 : vector<1x64xf32>
      %add3A_305 = arith.constant 5.000000e-01 : f32
      %add3A_306 = vector.broadcast %add3A_305 : f32 to vector<1x64xf32>
      %add3A_307 = arith.addf %add3A_306, %mul3A_304 : vector<1x64xf32>
      %get3A_308 = arith.index_cast %scan3A_281 : i32 to index
      %get3A_309 = arith.constant 0 : index
      %get3A_310 = vector.load %arg3[%get3A_308, %get3A_309] : memref<200x64xf32, #tpu.memory_space<vmem>>, vector<1x64xf32>
      %dot_general3A_311 = arith.constant dense<0.000000e+00> : vector<1x64xf32>
      %dot_general3A_312 = tpu.matmul %mul3A_276, %get3A_15, %dot_general3A_311 {dimension_numbers = #tpu.dot_dimension_numbers<[1], [0], [0], [1], [0, 0, 1, 1], [], []>, transpose_lhs_hint = false} : vector<1x64xf32>, vector<64x64xf32>, vector<1x64xf32> -> vector<1x64xf32>
      %add3A_313 = arith.addf %get3A_310, %dot_general3A_312 : vector<1x64xf32>
      %tanh3A_314 = math.tanh %add3A_313 : vector<1x64xf32>
      %get3A_315 = arith.index_cast %scan3A_281 : i32 to index
      %get3A_316 = arith.constant 0 : index
      %get3A_317 = vector.load %arg4[%get3A_315, %get3A_316] : memref<200x64xf32, #tpu.memory_space<vmem>>, vector<1x64xf32>
      %dot_general3A_318 = arith.constant dense<0.000000e+00> : vector<1x64xf32>
      %dot_general3A_319 = tpu.matmul %mul3A_276, %get3A_20, %dot_general3A_318 {dimension_numbers = #tpu.dot_dimension_numbers<[1], [0], [0], [1], [0, 0, 1, 1], [], []>, transpose_lhs_hint = false} : vector<1x64xf32>, vector<64x64xf32>, vector<1x64xf32> -> vector<1x64xf32>
      %add3A_320 = arith.addf %get3A_317, %dot_general3A_319 : vector<1x64xf32>
      %tanh3A_321 = math.tanh %add3A_320 : vector<1x64xf32>
      %mul3A_322 = arith.constant 5.000000e-01 : f32
      %mul3A_323 = vector.broadcast %mul3A_322 : f32 to vector<1x64xf32>
      %mul3A_324 = arith.mulf %mul3A_323, %tanh3A_321 : vector<1x64xf32>
      %add3A_325 = arith.constant 5.000000e-01 : f32
      %add3A_326 = vector.broadcast %add3A_325 : f32 to vector<1x64xf32>
      %add3A_327 = arith.addf %add3A_326, %mul3A_324 : vector<1x64xf32>
      %mul3A_328 = arith.mulf %add3A_307, %add3A_274 : vector<1x64xf32>
      %mul3A_329 = arith.mulf %add3A_294, %tanh3A_314 : vector<1x64xf32>
      %add3A_330 = arith.addf %mul3A_328, %mul3A_329 : vector<1x64xf32>
      %tanh3A_331 = math.tanh %add3A_330 : vector<1x64xf32>
      %mul3A_332 = arith.mulf %add3A_327, %tanh3A_331 : vector<1x64xf32>
      %swap3A_333 = arith.index_cast %scan3A_281 : i32 to index
      %swap3A_334 = arith.constant 0 : index
      %swap3A_335 = vector.load %arg13[%swap3A_333, %swap3A_334] : memref<200x64xf32, #tpu.memory_space<vmem>>, vector<1x64xf32>
      tpu.vector_store %arg13[%swap3A_333, %swap3A_334], %mul3A_332 {strides = array<i32>} : memref<200x64xf32, #tpu.memory_space<vmem>>, vector<1x64xf32>,
      %scan3A_336 = arith.constant 5 : i32
      %scan3A_337 = arith.addi %scan3A_57, %scan3A_336 : i32
      %get3A_338 = arith.index_cast %scan3A_337 : i32 to index
      %get3A_339 = arith.constant 0 : index
      %get3A_340 = vector.load %arg1[%get3A_338, %get3A_339] : memref<200x64xf32, #tpu.memory_space<vmem>>, vector<1x64xf32>
      %dot_general3A_341 = arith.constant dense<0.000000e+00> : vector<1x64xf32>
      %dot_general3A_342 = tpu.matmul %mul3A_332, %get3A_5, %dot_general3A_341 {dimension_numbers = #tpu.dot_dimension_numbers<[1], [0], [0], [1], [0, 0, 1, 1], [], []>, transpose_lhs_hint = false} : vector<1x64xf32>, vector<64x64xf32>, vector<1x64xf32> -> vector<1x64xf32>
      %add3A_343 = arith.addf %get3A_340, %dot_general3A_342 : vector<1x64xf32>
      %tanh3A_344 = math.tanh %add3A_343 : vector<1x64xf32>
      %mul3A_345 = arith.constant 5.000000e-01 : f32
      %mul3A_346 = vector.broadcast %mul3A_345 : f32 to vector<1x64xf32>
      %mul3A_347 = arith.mulf %mul3A_346, %tanh3A_344 : vector<1x64xf32>
      %add3A_348 = arith.constant 5.000000e-01 : f32
      %add3A_349 = vector.broadcast %add3A_348 : f32 to vector<1x64xf32>
      %add3A_350 = arith.addf %add3A_349, %mul3A_347 : vector<1x64xf32>
      %get3A_351 = arith.index_cast %scan3A_337 : i32 to index
      %get3A_352 = arith.constant 0 : index
      %get3A_353 = vector.load %arg2[%get3A_351, %get3A_352] : memref<200x64xf32, #tpu.memory_space<vmem>>, vector<1x64xf32>
      %dot_general3A_354 = arith.constant dense<0.000000e+00> : vector<1x64xf32>
      %dot_general3A_355 = tpu.matmul %mul3A_332, %get3A_10, %dot_general3A_354 {dimension_numbers = #tpu.dot_dimension_numbers<[1], [0], [0], [1], [0, 0, 1, 1], [], []>, transpose_lhs_hint = false} : vector<1x64xf32>, vector<64x64xf32>, vector<1x64xf32> -> vector<1x64xf32>
      %add3A_356 = arith.addf %get3A_353, %dot_general3A_355 : vector<1x64xf32>
      %tanh3A_357 = math.tanh %add3A_356 : vector<1x64xf32>
      %mul3A_358 = arith.constant 5.000000e-01 : f32
      %mul3A_359 = vector.broadcast %mul3A_358 : f32 to vector<1x64xf32>
      %mul3A_360 = arith.mulf %mul3A_359, %tanh3A_357 : vector<1x64xf32>
      %add3A_361 = arith.constant 5.000000e-01 : f32
      %add3A_362 = vector.broadcast %add3A_361 : f32 to vector<1x64xf32>
      %add3A_363 = arith.addf %add3A_362, %mul3A_360 : vector<1x64xf32>
      %get3A_364 = arith.index_cast %scan3A_337 : i32 to index
      %get3A_365 = arith.constant 0 : index
      %get3A_366 = vector.load %arg3[%get3A_364, %get3A_365] : memref<200x64xf32, #tpu.memory_space<vmem>>, vector<1x64xf32>
      %dot_general3A_367 = arith.constant dense<0.000000e+00> : vector<1x64xf32>
      %dot_general3A_368 = tpu.matmul %mul3A_332, %get3A_15, %dot_general3A_367 {dimension_numbers = #tpu.dot_dimension_numbers<[1], [0], [0], [1], [0, 0, 1, 1], [], []>, transpose_lhs_hint = false} : vector<1x64xf32>, vector<64x64xf32>, vector<1x64xf32> -> vector<1x64xf32>
      %add3A_369 = arith.addf %get3A_366, %dot_general3A_368 : vector<1x64xf32>
      %tanh3A_370 = math.tanh %add3A_369 : vector<1x64xf32>
      %get3A_371 = arith.index_cast %scan3A_337 : i32 to index
      %get3A_372 = arith.constant 0 : index
      %get3A_373 = vector.load %arg4[%get3A_371, %get3A_372] : memref<200x64xf32, #tpu.memory_space<vmem>>, vector<1x64xf32>
      %dot_general3A_374 = arith.constant dense<0.000000e+00> : vector<1x64xf32>
      %dot_general3A_375 = tpu.matmul %mul3A_332, %get3A_20, %dot_general3A_374 {dimension_numbers = #tpu.dot_dimension_numbers<[1], [0], [0], [1], [0, 0, 1, 1], [], []>, transpose_lhs_hint = false} : vector<1x64xf32>, vector<64x64xf32>, vector<1x64xf32> -> vector<1x64xf32>
      %add3A_376 = arith.addf %get3A_373, %dot_general3A_375 : vector<1x64xf32>
      %tanh3A_377 = math.tanh %add3A_376 : vector<1x64xf32>
      %mul3A_378 = arith.constant 5.000000e-01 : f32
      %mul3A_379 = vector.broadcast %mul3A_378 : f32 to vector<1x64xf32>
      %mul3A_380 = arith.mulf %mul3A_379, %tanh3A_377 : vector<1x64xf32>
      %add3A_381 = arith.constant 5.000000e-01 : f32
      %add3A_382 = vector.broadcast %add3A_381 : f32 to vector<1x64xf32>
      %add3A_383 = arith.addf %add3A_382, %mul3A_380 : vector<1x64xf32>
      %mul3A_384 = arith.mulf %add3A_363, %add3A_330 : vector<1x64xf32>
      %mul3A_385 = arith.mulf %add3A_350, %tanh3A_370 : vector<1x64xf32>
      %add3A_386 = arith.addf %mul3A_384, %mul3A_385 : vector<1x64xf32>
      %tanh3A_387 = math.tanh %add3A_386 : vector<1x64xf32>
      %mul3A_388 = arith.mulf %add3A_383, %tanh3A_387 : vector<1x64xf32>
      %swap3A_389 = arith.index_cast %scan3A_337 : i32 to index
      %swap3A_390 = arith.constant 0 : index
      %swap3A_391 = vector.load %arg13[%swap3A_389, %swap3A_390] : memref<200x64xf32, #tpu.memory_space<vmem>>, vector<1x64xf32>
      tpu.vector_store %arg13[%swap3A_389, %swap3A_390], %mul3A_388 {strides = array<i32>} : memref<200x64xf32, #tpu.memory_space<vmem>>, vector<1x64xf32>,
      %scan3A_392 = arith.constant 6 : i32
      %scan3A_393 = arith.addi %scan3A_57, %scan3A_392 : i32
      %get3A_394 = arith.index_cast %scan3A_393 : i32 to index
      %get3A_395 = arith.constant 0 : index
      %get3A_396 = vector.load %arg1[%get3A_394, %get3A_395] : memref<200x64xf32, #tpu.memory_space<vmem>>, vector<1x64xf32>
      %dot_general3A_397 = arith.constant dense<0.000000e+00> : vector<1x64xf32>
      %dot_general3A_398 = tpu.matmul %mul3A_388, %get3A_5, %dot_general3A_397 {dimension_numbers = #tpu.dot_dimension_numbers<[1], [0], [0], [1], [0, 0, 1, 1], [], []>, transpose_lhs_hint = false} : vector<1x64xf32>, vector<64x64xf32>, vector<1x64xf32> -> vector<1x64xf32>
      %add3A_399 = arith.addf %get3A_396, %dot_general3A_398 : vector<1x64xf32>
      %tanh3A_400 = math.tanh %add3A_399 : vector<1x64xf32>
      %mul3A_401 = arith.constant 5.000000e-01 : f32
      %mul3A_402 = vector.broadcast %mul3A_401 : f32 to vector<1x64xf32>
      %mul3A_403 = arith.mulf %mul3A_402, %tanh3A_400 : vector<1x64xf32>
      %add3A_404 = arith.constant 5.000000e-01 : f32
      %add3A_405 = vector.broadcast %add3A_404 : f32 to vector<1x64xf32>
      %add3A_406 = arith.addf %add3A_405, %mul3A_403 : vector<1x64xf32>
      %get3A_407 = arith.index_cast %scan3A_393 : i32 to index
      %get3A_408 = arith.constant 0 : index
      %get3A_409 = vector.load %arg2[%get3A_407, %get3A_408] : memref<200x64xf32, #tpu.memory_space<vmem>>, vector<1x64xf32>
      %dot_general3A_410 = arith.constant dense<0.000000e+00> : vector<1x64xf32>
      %dot_general3A_411 = tpu.matmul %mul3A_388, %get3A_10, %dot_general3A_410 {dimension_numbers = #tpu.dot_dimension_numbers<[1], [0], [0], [1], [0, 0, 1, 1], [], []>, transpose_lhs_hint = false} : vector<1x64xf32>, vector<64x64xf32>, vector<1x64xf32> -> vector<1x64xf32>
      %add3A_412 = arith.addf %get3A_409, %dot_general3A_411 : vector<1x64xf32>
      %tanh3A_413 = math.tanh %add3A_412 : vector<1x64xf32>
      %mul3A_414 = arith.constant 5.000000e-01 : f32
      %mul3A_415 = vector.broadcast %mul3A_414 : f32 to vector<1x64xf32>
      %mul3A_416 = arith.mulf %mul3A_415, %tanh3A_413 : vector<1x64xf32>
      %add3A_417 = arith.constant 5.000000e-01 : f32
      %add3A_418 = vector.broadcast %add3A_417 : f32 to vector<1x64xf32>
      %add3A_419 = arith.addf %add3A_418, %mul3A_416 : vector<1x64xf32>
      %get3A_420 = arith.index_cast %scan3A_393 : i32 to index
      %get3A_421 = arith.constant 0 : index
      %get3A_422 = vector.load %arg3[%get3A_420, %get3A_421] : memref<200x64xf32, #tpu.memory_space<vmem>>, vector<1x64xf32>
      %dot_general3A_423 = arith.constant dense<0.000000e+00> : vector<1x64xf32>
      %dot_general3A_424 = tpu.matmul %mul3A_388, %get3A_15, %dot_general3A_423 {dimension_numbers = #tpu.dot_dimension_numbers<[1], [0], [0], [1], [0, 0, 1, 1], [], []>, transpose_lhs_hint = false} : vector<1x64xf32>, vector<64x64xf32>, vector<1x64xf32> -> vector<1x64xf32>
      %add3A_425 = arith.addf %get3A_422, %dot_general3A_424 : vector<1x64xf32>
      %tanh3A_426 = math.tanh %add3A_425 : vector<1x64xf32>
      %get3A_427 = arith.index_cast %scan3A_393 : i32 to index
      %get3A_428 = arith.constant 0 : index
      %get3A_429 = vector.load %arg4[%get3A_427, %get3A_428] : memref<200x64xf32, #tpu.memory_space<vmem>>, vector<1x64xf32>
      %dot_general3A_430 = arith.constant dense<0.000000e+00> : vector<1x64xf32>
      %dot_general3A_431 = tpu.matmul %mul3A_388, %get3A_20, %dot_general3A_430 {dimension_numbers = #tpu.dot_dimension_numbers<[1], [0], [0], [1], [0, 0, 1, 1], [], []>, transpose_lhs_hint = false} : vector<1x64xf32>, vector<64x64xf32>, vector<1x64xf32> -> vector<1x64xf32>
      %add3A_432 = arith.addf %get3A_429, %dot_general3A_431 : vector<1x64xf32>
      %tanh3A_433 = math.tanh %add3A_432 : vector<1x64xf32>
      %mul3A_434 = arith.constant 5.000000e-01 : f32
      %mul3A_435 = vector.broadcast %mul3A_434 : f32 to vector<1x64xf32>
      %mul3A_436 = arith.mulf %mul3A_435, %tanh3A_433 : vector<1x64xf32>
      %add3A_437 = arith.constant 5.000000e-01 : f32
      %add3A_438 = vector.broadcast %add3A_437 : f32 to vector<1x64xf32>
      %add3A_439 = arith.addf %add3A_438, %mul3A_436 : vector<1x64xf32>
      %mul3A_440 = arith.mulf %add3A_419, %add3A_386 : vector<1x64xf32>
      %mul3A_441 = arith.mulf %add3A_406, %tanh3A_426 : vector<1x64xf32>
      %add3A_442 = arith.addf %mul3A_440, %mul3A_441 : vector<1x64xf32>
      %tanh3A_443 = math.tanh %add3A_442 : vector<1x64xf32>
      %mul3A_444 = arith.mulf %add3A_439, %tanh3A_443 : vector<1x64xf32>
      %swap3A_445 = arith.index_cast %scan3A_393 : i32 to index
      %swap3A_446 = arith.constant 0 : index
      %swap3A_447 = vector.load %arg13[%swap3A_445, %swap3A_446] : memref<200x64xf32, #tpu.memory_space<vmem>>, vector<1x64xf32>
      tpu.vector_store %arg13[%swap3A_445, %swap3A_446], %mul3A_444 {strides = array<i32>} : memref<200x64xf32, #tpu.memory_space<vmem>>, vector<1x64xf32>,
      %scan3A_448 = arith.constant 7 : i32
      %scan3A_449 = arith.addi %scan3A_57, %scan3A_448 : i32
      %get3A_450 = arith.index_cast %scan3A_449 : i32 to index
      %get3A_451 = arith.constant 0 : index
      %get3A_452 = vector.load %arg1[%get3A_450, %get3A_451] : memref<200x64xf32, #tpu.memory_space<vmem>>, vector<1x64xf32>
      %dot_general3A_453 = arith.constant dense<0.000000e+00> : vector<1x64xf32>
      %dot_general3A_454 = tpu.matmul %mul3A_444, %get3A_5, %dot_general3A_453 {dimension_numbers = #tpu.dot_dimension_numbers<[1], [0], [0], [1], [0, 0, 1, 1], [], []>, transpose_lhs_hint = false} : vector<1x64xf32>, vector<64x64xf32>, vector<1x64xf32> -> vector<1x64xf32>
      %add3A_455 = arith.addf %get3A_452, %dot_general3A_454 : vector<1x64xf32>
      %tanh3A_456 = math.tanh %add3A_455 : vector<1x64xf32>
      %mul3A_457 = arith.constant 5.000000e-01 : f32
      %mul3A_458 = vector.broadcast %mul3A_457 : f32 to vector<1x64xf32>
      %mul3A_459 = arith.mulf %mul3A_458, %tanh3A_456 : vector<1x64xf32>
      %add3A_460 = arith.constant 5.000000e-01 : f32
      %add3A_461 = vector.broadcast %add3A_460 : f32 to vector<1x64xf32>
      %add3A_462 = arith.addf %add3A_461, %mul3A_459 : vector<1x64xf32>
      %get3A_463 = arith.index_cast %scan3A_449 : i32 to index
      %get3A_464 = arith.constant 0 : index
      %get3A_465 = vector.load %arg2[%get3A_463, %get3A_464] : memref<200x64xf32, #tpu.memory_space<vmem>>, vector<1x64xf32>
      %dot_general3A_466 = arith.constant dense<0.000000e+00> : vector<1x64xf32>
      %dot_general3A_467 = tpu.matmul %mul3A_444, %get3A_10, %dot_general3A_466 {dimension_numbers = #tpu.dot_dimension_numbers<[1], [0], [0], [1], [0, 0, 1, 1], [], []>, transpose_lhs_hint = false} : vector<1x64xf32>, vector<64x64xf32>, vector<1x64xf32> -> vector<1x64xf32>
      %add3A_468 = arith.addf %get3A_465, %dot_general3A_467 : vector<1x64xf32>
      %tanh3A_469 = math.tanh %add3A_468 : vector<1x64xf32>
      %mul3A_470 = arith.constant 5.000000e-01 : f32
      %mul3A_471 = vector.broadcast %mul3A_470 : f32 to vector<1x64xf32>
      %mul3A_472 = arith.mulf %mul3A_471, %tanh3A_469 : vector<1x64xf32>
      %add3A_473 = arith.constant 5.000000e-01 : f32
      %add3A_474 = vector.broadcast %add3A_473 : f32 to vector<1x64xf32>
      %add3A_475 = arith.addf %add3A_474, %mul3A_472 : vector<1x64xf32>
      %get3A_476 = arith.index_cast %scan3A_449 : i32 to index
      %get3A_477 = arith.constant 0 : index
      %get3A_478 = vector.load %arg3[%get3A_476, %get3A_477] : memref<200x64xf32, #tpu.memory_space<vmem>>, vector<1x64xf32>
      %dot_general3A_479 = arith.constant dense<0.000000e+00> : vector<1x64xf32>
      %dot_general3A_480 = tpu.matmul %mul3A_444, %get3A_15, %dot_general3A_479 {dimension_numbers = #tpu.dot_dimension_numbers<[1], [0], [0], [1], [0, 0, 1, 1], [], []>, transpose_lhs_hint = false} : vector<1x64xf32>, vector<64x64xf32>, vector<1x64xf32> -> vector<1x64xf32>
      %add3A_481 = arith.addf %get3A_478, %dot_general3A_480 : vector<1x64xf32>
      %tanh3A_482 = math.tanh %add3A_481 : vector<1x64xf32>
      %get3A_483 = arith.index_cast %scan3A_449 : i32 to index
      %get3A_484 = arith.constant 0 : index
      %get3A_485 = vector.load %arg4[%get3A_483, %get3A_484] : memref<200x64xf32, #tpu.memory_space<vmem>>, vector<1x64xf32>
      %dot_general3A_486 = arith.constant dense<0.000000e+00> : vector<1x64xf32>
      %dot_general3A_487 = tpu.matmul %mul3A_444, %get3A_20, %dot_general3A_486 {dimension_numbers = #tpu.dot_dimension_numbers<[1], [0], [0], [1], [0, 0, 1, 1], [], []>, transpose_lhs_hint = false} : vector<1x64xf32>, vector<64x64xf32>, vector<1x64xf32> -> vector<1x64xf32>
      %add3A_488 = arith.addf %get3A_485, %dot_general3A_487 : vector<1x64xf32>
      %tanh3A_489 = math.tanh %add3A_488 : vector<1x64xf32>
      %mul3A_490 = arith.constant 5.000000e-01 : f32
      %mul3A_491 = vector.broadcast %mul3A_490 : f32 to vector<1x64xf32>
      %mul3A_492 = arith.mulf %mul3A_491, %tanh3A_489 : vector<1x64xf32>
      %add3A_493 = arith.constant 5.000000e-01 : f32
      %add3A_494 = vector.broadcast %add3A_493 : f32 to vector<1x64xf32>
      %add3A_495 = arith.addf %add3A_494, %mul3A_492 : vector<1x64xf32>
      %mul3A_496 = arith.mulf %add3A_475, %add3A_442 : vector<1x64xf32>
      %mul3A_497 = arith.mulf %add3A_462, %tanh3A_482 : vector<1x64xf32>
      %add3A_498 = arith.addf %mul3A_496, %mul3A_497 : vector<1x64xf32>
      %tanh3A_499 = math.tanh %add3A_498 : vector<1x64xf32>
      %mul3A_500 = arith.mulf %add3A_495, %tanh3A_499 : vector<1x64xf32>
      %swap3A_501 = arith.index_cast %scan3A_449 : i32 to index
      %swap3A_502 = arith.constant 0 : index
      %swap3A_503 = vector.load %arg13[%swap3A_501, %swap3A_502] : memref<200x64xf32, #tpu.memory_space<vmem>>, vector<1x64xf32>
      tpu.vector_store %arg13[%swap3A_501, %swap3A_502], %mul3A_500 {strides = array<i32>} : memref<200x64xf32, #tpu.memory_space<vmem>>, vector<1x64xf32>,
      scf.yield %mul3A_500, %add3A_498 : vector<1x64xf32>, vector<1x64xf32>
    }
    %scan3A_31 = arith.constant 200 : i32
    %swap3A = arith.constant 0 : index
    %swap3A_32 = arith.constant 0 : index
    %swap3A_33 = vector.load %arg14[%swap3A, %swap3A_32] : memref<1x64xf32, #tpu.memory_space<vmem>>, vector<1x64xf32>
    tpu.vector_store %arg14[%swap3A, %swap3A_32], %scan3A_30#0 {strides = array<i32>} : memref<1x64xf32, #tpu.memory_space<vmem>>, vector<1x64xf32>,
    %swap3A_34 = arith.constant 0 : index
    %swap3A_35 = arith.constant 0 : index
    %swap3A_36 = vector.load %arg15[%swap3A_34, %swap3A_35] : memref<1x64xf32, #tpu.memory_space<vmem>>, vector<1x64xf32>
    tpu.vector_store %arg15[%swap3A_34, %swap3A_35], %scan3A_30#1 {strides = array<i32>} : memref<1x64xf32, #tpu.memory_space<vmem>>, vector<1x64xf32>,
    %get3A_37 = arith.constant 0 : index
    %get3A_38 = arith.constant 0 : index
    %get3A_39 = vector.load %arg13[%get3A_37, %get3A_38] : memref<200x64xf32, #tpu.memory_space<vmem>>, vector<200x64xf32>
    %get3A_40 = arith.constant 0 : index
    %get3A_41 = arith.constant 0 : index
    %get3A_42 = vector.load %arg6[%get3A_40, %get3A_41] : memref<3x64xf32, #tpu.memory_space<vmem>>, vector<3x64xf32>
    %dot_general3A = arith.constant dense<0.000000e+00> : vector<200x3xf32>
    %dot_general3A_43 = tpu.matmul %get3A_39, %get3A_42, %dot_general3A {dimension_numbers = #tpu.dot_dimension_numbers<[1], [1], [0], [0], [0, 0, 1, 0], [], []>, transpose_lhs_hint = false} : vector<200x64xf32>, vector<3x64xf32>, vector<200x3xf32> -> vector<200x3xf32>
    %get3A_44 = arith.constant 0 : index
    %get3A_45 = arith.constant 0 : index
    %get3A_46 = vector.load %arg7[%get3A_44, %get3A_45] : memref<1x3xf32, #tpu.memory_space<vmem>>, vector<1x3xf32>
    %add3A = vector.broadcast %get3A_46 : vector<1x3xf32> to vector<200x3xf32>
    %add3A_47 = arith.addf %dot_general3A_43, %add3A : vector<200x3xf32>
    %swap3A_48 = arith.constant 0 : index
    %swap3A_49 = arith.constant 0 : index
    %swap3A_50 = vector.load %arg10[%swap3A_48, %swap3A_49] : memref<200x3xf32, #tpu.memory_space<vmem>>, vector<200x3xf32>
    tpu.vector_store %arg10[%swap3A_48, %swap3A_49], %add3A_47 {strides = array<i32>} : memref<200x3xf32, #tpu.memory_space<vmem>>, vector<200x3xf32>,
    %swap3A_51 = arith.constant 0 : index
    %swap3A_52 = arith.constant 0 : index
    %swap3A_53 = vector.load %arg11[%swap3A_51, %swap3A_52] : memref<1x64xf32, #tpu.memory_space<vmem>>, vector<1x64xf32>
    tpu.vector_store %arg11[%swap3A_51, %swap3A_52], %scan3A_30#0 {strides = array<i32>} : memref<1x64xf32, #tpu.memory_space<vmem>>, vector<1x64xf32>,
    %swap3A_54 = arith.constant 0 : index
    %swap3A_55 = arith.constant 0 : index
    %swap3A_56 = vector.load %arg12[%swap3A_54, %swap3A_55] : memref<1x64xf32, #tpu.memory_space<vmem>>, vector<1x64xf32>
    tpu.vector_store %arg12[%swap3A_54, %swap3A_55], %scan3A_30#1 {strides = array<i32>} : memref<1x64xf32, #tpu.memory_space<vmem>>, vector<1x64xf32>,
    return
  }
  func.func @transform_0(%arg0: i32) -> (i32, i32) {
    %c0_i32 = arith.constant 0 : i32
    %c0_i32_0 = arith.constant 0 : i32
    return %arg0, %c0_i32 : i32, i32
  }
  func.func @transform_1(%arg0: i32) -> (i32, i32) {
    %c0_i32 = arith.constant 0 : i32
    %c0_i32_0 = arith.constant 0 : i32
    return %arg0, %c0_i32 : i32, i32
  }
  func.func @transform_2(%arg0: i32) -> (i32, i32) {
    %c0_i32 = arith.constant 0 : i32
    %c0_i32_0 = arith.constant 0 : i32
    return %arg0, %c0_i32 : i32, i32
  }
  func.func @transform_3(%arg0: i32) -> (i32, i32) {
    %c0_i32 = arith.constant 0 : i32
    %c0_i32_0 = arith.constant 0 : i32
    return %arg0, %c0_i32 : i32, i32
  }
  func.func @transform_4(%arg0: i32) -> (i32, i32, i32) {
    %c0_i32 = arith.constant 0 : i32
    %c0_i32_0 = arith.constant 0 : i32
    %c0_i32_1 = arith.constant 0 : i32
    %c0_i32_2 = arith.constant 0 : i32
    return %c0_i32, %c0_i32_0, %c0_i32_1 : i32, i32, i32
  }
  func.func @transform_5(%arg0: i32) -> (i32, i32) {
    %c0_i32 = arith.constant 0 : i32
    %c0_i32_0 = arith.constant 0 : i32
    %c0_i32_1 = arith.constant 0 : i32
    return %c0_i32, %c0_i32_0 : i32, i32
  }
  func.func @transform_6(%arg0: i32) -> (i32, i32) {
    %c0_i32 = arith.constant 0 : i32
    %c0_i32_0 = arith.constant 0 : i32
    %c0_i32_1 = arith.constant 0 : i32
    return %c0_i32, %c0_i32_0 : i32, i32
  }
  func.func @transform_7(%arg0: i32) -> (i32, i32) {
    %c0_i32 = arith.constant 0 : i32
    %c0_i32_0 = arith.constant 0 : i32
    %c0_i32_1 = arith.constant 0 : i32
    return %c0_i32, %c0_i32_0 : i32, i32
  }
  func.func @transform_8(%arg0: i32) -> (i32, i32) {
    %c0_i32 = arith.constant 0 : i32
    %c0_i32_0 = arith.constant 0 : i32
    %c0_i32_1 = arith.constant 0 : i32
    return %c0_i32, %c0_i32_0 : i32, i32
  }
  func.func @transform_9(%arg0: i32) -> (i32, i32) {
    %c0_i32 = arith.constant 0 : i32
    %c0_i32_0 = arith.constant 0 : i32
    return %arg0, %c0_i32 : i32, i32
  }
  func.func @transform_10(%arg0: i32) -> (i32, i32) {
    %c0_i32 = arith.constant 0 : i32
    %c0_i32_0 = arith.constant 0 : i32
    %c0_i32_1 = arith.constant 0 : i32
    return %c0_i32, %c0_i32_0 : i32, i32
  }
  func.func @transform_11(%arg0: i32) -> (i32, i32) {
    %c0_i32 = arith.constant 0 : i32
    %c0_i32_0 = arith.constant 0 : i32
    %c0_i32_1 = arith.constant 0 : i32
    return %c0_i32, %c0_i32_0 : i32, i32
  }
}

</mosaic_0001>

<sc_bundles>
// kernel: kernel.10.cloned.1.call-start
scs
__scs_entry_jumppad:
0x0: {  	(pc) =	sbr.rel $0x88, $3  }
0x1: {  	(tag) =	ssettag $0x0;
	lr =	simm.s32 $0x1  }
0x2: {  	[smem:$0x3F95] =	sst lr;
	_ =	strace $0xD0000000  }
0x3: {  	_ = 	snop  }
0x4: {  	_ = 	snop  }
0x5: {  	_ = 	snop  }
0x6: {  	_ = 	snop  }
0x7: {  	_ = 	snop  }
__scs_overlays_trampoline_lowered:
0x8: {  	[smem:$0x3FA4] =	sst s0  }
0x9: {  	[smem:$0x3FA5] =	sst s1  }
0xa: {  	[smem:$0x3FA6] =	sst s2  }
0xb: {  	[smem:$0x3FA7] =	sst s3  }
0xc: {  	[smem:$0x3FA8] =	sst s4  }
0xd: {  	[smem:$0x3FA9] =	sst s5  }
0xe: {  	[smem:$0x3FAA] =	sst s6  }
0xf: {  	[smem:$0x3FAB] =	sst s7  }
0x10: {  	[smem:$0x3FAC] =	sst s8  }
0x11: {  	[smem:$0x3FAD] =	sst s9;
	s0 =	simm.s32 @!p0 $0x0  }
0x12: {  	s1 =	sld [smem:$0x3F93];
	s0 =	simm.s32 @p0 $0x1  }
0x13: {  	[smem:$0x3FAE] =	sst s0;
	s0 =	simm.s32 @!p1 $0x0  }
0x14: {  	s2 =	sld [smem:$0x3F92];
	s0 =	simm.s32 @p1 $0x1  }
0x15: {  	[smem:$0x3FAF] =	sst s0;
	s0 =	simm.s32 @!p2 $0x0  }
0x16: {  	s3 =	sld [smem:$0x3FDB];
	s0 =	simm.s32 @p2 $0x1  }
0x17: {  	s4 =	simm.s32 $0x1BF5;
	[smem:$0x3FB1] =	sst s0  }
0x18: {  	s0 =	sld [smem:$0x3F94];
	_ =	swait.ge [sflag:s4], $0x0  }
0x19: {  	s7 =	sld [smem:$0x3F95]  }
0x1a: {  	s8 =	sadd.s32 $0xFFFFE003, lr  }
0x1b: {  	s9 =	sadd.s32 $0xFFFFFEF7, lr;
	s5 =	simm.s32 $0xFFFFFFFF;
	p2 =	slt.u32 s8, $0xFFFFF086  }
0x1c: {  	p1 =	slt.u32 s9, $0xF7A;
	s5 =	simm.s32 @!p2 $0x0  }
0x1d: {  	s5 =	simm.s32 @p1 $0x1;
	p0 =	seq.s32 s7, s2  }
0x1e: {  	s7 =	smul.u32 @!p0 $0xF7A, s2;
	p2 =	seq.s32 @!p0 s5, $0x0  }
0x1f: {  	s9 =	smul.u32 $0xF7A, s1;
	s8 =	simm.s32 @!p0 $0x1BF5;
	p2 =	por !p2, p0  }
0x20: {  	[sflag:s8] =	ssyncset.s32 @!p0 $0xFFFFF086;
	s6 =	sadd.s32 @!p0 s3, s7;
	s7 =	simm.s32 @!p0 $0x108  }
0x21: {  	s3 =	sadd.s32 s3, s9;
	s6 =	sadd.s32 @!p0 $0x88, s6;
	s7 =	simm.s32 @p2 $0x1082  }
0x22: {  	[simem:s7], [sflag:s8] =	dma.local @!p0 [hbm:s6], $0xF7A  }
0x23: {  	s9 =	sor.u32 $0xD0000000, s2;
	s6 =	simm.s32 $0x108;
	_ =	swait.ge @!p0 [sflag:s8], $0x0  }
0x24: {  	s3 =	sadd.s32 $0x88, s3;
	s6 =	simm.s32 @!p1 $0x1082;
	[sflag:s4] =	ssyncset.s32 $0xFFFFF086  }
0x25: {  	[simem:s6], [sflag:s4] =	dma.local [hbm:s3], $0xF7A  }
0x26: {  	[smem:$0x3F95] =	sst s1;
	(tag) =	ssettag s2;
	_ =	strace s9  }
0x27: {  	s1 =	sld [smem:$0x3FA5]  }
0x28: {  	s2 =	sld [smem:$0x3FA6]  }
0x29: {  	s4 =	sld [smem:$0x3FA8]  }
0x2a: {  	p0 =	seq.s32 s5, $0x0;
	s5 =	sld [smem:$0x3FA9]  }
0x2b: {  	s6 =	sld [smem:$0x3FAA]  }
0x2c: {  	s7 =	sld [smem:$0x3FAB]  }
0x2d: {  	s3 =	simm.s32 $0x108;
	s8 =	sld [smem:$0x3FAC]  }
0x2e: {  	s3 =	simm.s32 @!p0 $0x1082;
	s9 =	sld [smem:$0x3FAD]  }
0x2f: {  	lr =	sadd.s32 s0, s3;
	s0 =	sld [smem:$0x3FA4]  }
0x30: {  	s3 =	sld [smem:$0x3FA7]  }
0x31: {  	[smem:$0x3FB0] =	sst s10  }
0x32: {  	s10 =	sld [smem:$0x3FAE];
	_ =	sdelay $0x3  }
0x33: {  	p0 =	seq.s32 s10, $0x1;
	s10 =	sld [smem:$0x3FB0];
	_ =	sdelay $0x3  }
0x34: {  	[smem:$0x3FB0] =	sst s10  }
0x35: {  	s10 =	sld [smem:$0x3FAF];
	_ =	sdelay $0x3  }
0x36: {  	p1 =	seq.s32 s10, $0x1;
	s10 =	sld [smem:$0x3FB0];
	_ =	sdelay $0x3  }
0x37: {  	[smem:$0x3FB0] =	sst s10  }
0x38: {  	s10 =	sld [smem:$0x3FB1]  }
0x39: {  	_ = 	snop;
	(pc) =	sbr.ind lr, $3  }
0x3a: {  	_ = 	snop  }
0x3b: {  	_ = 	snop  }
0x3c: {  	p2 =	seq.s32 s10, $0x1;
	s10 =	sld [smem:$0x3FB0]  }
0x3d: {  	_ =	shalt  }
0x3e: {  	_ =	shalt  }
0x3f: {  	_ =	shalt  }
0x40: {  	_ =	shalt  }
0x41: {  	_ =	shalt  }
0x42: {  	_ =	shalt  }
0x43: {  	_ =	shalt  }
0x44: {  	_ =	shalt  }
0x45: {  	_ =	shalt  }
0x46: {  	_ =	shalt  }
0x47: {  	_ =	shalt  }
0x48: {  	_ =	shalt  }
0x49: {  	_ =	shalt  }
0x4a: {  	_ =	shalt  }
0x4b: {  	_ =	shalt  }
0x4c: {  	_ =	shalt  }
0x4d: {  	_ =	shalt  }
0x4e: {  	_ =	shalt  }
0x4f: {  	_ =	shalt  }
0x50: {  	_ =	shalt  }
0x51: {  	_ =	shalt  }
0x52: {  	_ =	shalt  }
0x53: {  	_ =	shalt  }
0x54: {  	_ =	shalt  }
0x55: {  	_ =	shalt  }
0x56: {  	_ =	shalt  }
0x57: {  	_ =	shalt  }
0x58: {  	_ =	shalt  }
0x59: {  	_ =	shalt  }
0x5a: {  	_ =	shalt  }
0x5b: {  	_ =	shalt  }
0x5c: {  	_ =	shalt  }
0x5d: {  	_ =	shalt  }
0x5e: {  	_ =	shalt  }
0x5f: {  	_ =	shalt  }
0x60: {  	_ =	shalt  }
0x61: {  	_ =	shalt  }
0x62: {  	_ =	shalt  }
0x63: {  	_ =	shalt  }
0x64: {  	_ =	shalt  }
0x65: {  	_ =	shalt  }
0x66: {  	_ =	shalt  }
0x67: {  	_ =	shalt  }
0x68: {  	_ =	shalt  }
0x69: {  	_ =	shalt  }
0x6a: {  	_ =	shalt  }
0x6b: {  	_ =	shalt  }
0x6c: {  	_ =	shalt  }
0x6d: {  	_ =	shalt  }
0x6e: {  	_ =	shalt  }
0x6f: {  	_ =	shalt  }
0x70: {  	_ =	shalt  }
0x71: {  	_ =	shalt  }
0x72: {  	_ =	shalt  }
0x73: {  	_ =	shalt  }
0x74: {  	_ =	shalt  }
0x75: {  	_ =	shalt  }
0x76: {  	_ =	shalt  }
0x77: {  	_ =	shalt  }
0x78: {  	_ =	shalt  }
0x79: {  	_ =	shalt  }
0x7a: {  	_ =	shalt  }
0x7b: {  	_ =	shalt  }
0x7c: {  	_ =	shalt  }
0x7d: {  	_ =	shalt  }
0x7e: {  	_ =	shalt  }
0x7f: {  	_ =	shalt  }
0x80: {  	_ =	shalt  }
0x81: {  	_ =	shalt  }
0x82: {  	_ =	shalt  }
0x83: {  	_ =	shalt  }
0x84: {  	_ =	shalt  }
0x85: {  	_ =	shalt  }
0x86: {  	_ =	shalt  }
0x87: {  	_ =	shalt  }
.Lfunc_end0:
.L_simem_size_0:
called_computation.1_lowered:
.L_overlay_start_0:
0x88: {  	s2 =	sld [smem:$0x3FD9]  }
0x89: {  	s3 =	sld [smem:$0x3FFE];
	_ =	sdelay $0x1  }
0x8a: {  	s1 =	srdreg.scid  }
0x8b: {  	s0 =	sand.u32 $0x1, s1  }
0x8c: {  	s16 =	sshll.u32 s0, $0xA;
	s2 =	sadd.s32 s3, s2  }
0x8d: {  	s2 =	sadd.s32 s2, s16  }
0x8e: {  	[smem:$0x3FBC] =	sst s2  }
0x8f: {  	_ = 	snop  }
0x90: {  	(tm) =	ssettm $0x1  }
0x91: {  	s17 =	sld [smem:$0x3FFB];
	_ =	sdelay $0x3  }
0x92: {  	_ =	strace s17  }
0x93: {  	s2 =	sld [smem:$0x3FFC];
	_ =	sdelay $0x3  }
0x94: {  	_ =	strace s2  }
0x95: {  	s2 =	sld [smem:$0x3FFD];
	_ =	sdelay $0x3  }
0x96: {  	_ =	strace s2  }
0x97: {  	_ =	strace $0x8FFFFFFF  }
0x98: {  	s18 =	sld [smem:$0x3FDB];
	_ =	sdelay $0x1  }
0x99: {  	s19 =	simm.s32 $_scs_section_size  }
0x9a: {  	s4 =	simm.s32 $_size__tile_overlayer_lowered;
	s5 =	simm.s32 $_tile_overlayer_lowered  }
0x9b: {  	s22 =	simm.s32 $0x1BFF;
	s21 =	sshll.u32 s5, $0x1;
	s2 =	sadd.s32 s19, s18  }
0x9c: {  	s6 =	simm.s32 $0x0;
	s20 =	sshll.u32 s4, $0x1;
	s4 =	sadd.s32 s21, s2  }
0x9d: {  	[timem:s6], [sflag:s22] =	dma.local [hbm:s4], s20  }
0x9e: {  	_ =	swait.ge [sflag:s22], s20  }
0x9f: {  	s3 =	ssub.s32 $0x0, s20;
	[sflag:s22] =	ssyncset.done $0x0  }
0xa0: {  	[sflag:s22] =	ssyncadd.s32 s3;
	_ =	sdelay $0x1  }
0xa1: {  	s23 =	simm.s32 $0x1B8B  }
0xa2: {  	_ =	swait.ge [sflag:s23], $0x1  }
0xa3: {  	[sflag:s23] =	ssyncset.done $0x0  }
0xa4: {  	s25 =	simm.s32 $0x1B8E;
	s24 =	sld [smem:$0x3FFE];
	[sflag:s23] =	ssyncadd.s32 $0xFFFFFFFF  }
0xa5: {  	s26 =	simm.s32 $execute0_lowered;
	[smem:$0x3FD2] =	sst s25  }
0xa6: {  	s4 =	sshll.u32 s26, $0x1;
	_ =	strace $0x80000049;
	[dreg:$0x1] =	wrdreg $0xFFFFFFFF  }
0xa7: {  	s28 =	simm.s32 $_size_execute0_lowered;
	s2 =	sadd.s32 s2, s4;
	[dreg:$0x0] =	wrdreg $0x0  }
0xa8: {  	s4 =	sshll.u32 s28, $0x1;
	[dreg:$0x2] =	wrdreg s2  }
0xa9: {  	[dreg:$0x3] =	wrdreg s4  }
0xaa: {  	[dreg:$0x4] =	wrdreg $0xC0  }
0xab: {  	_ =	task [dreg:s6], $0x5FFFF  }
0xac: {  	[dreg:$0x1] =	wrdreg $0xFFFFFFFF  }
0xad: {  	[dreg:$0x0] =	wrdreg $0x60  }
0xae: {  	[dreg:$0x2] =	wrdreg s24  }
0xaf: {  	[dreg:$0x3] =	wrdreg $0x41000  }
0xb0: {  	[dreg:$0x4] =	wrdreg $0x9  }
0xb1: {  	_ =	task.clear_ibuf [dreg:s6], $0x5FFFF;
	_ =	strace $0x90000049  }
0xb2: {  	s29 =	simm.s32 $0x9;
	_ =	strace $0x8000004B  }
0xb3: {  	_ =	swait.ge [sflag:s29], $0x1  }
0xb4: {  	[sflag:s29] =	ssyncadd.s32 $0xFFFFFFFF  }
0xb5: {  	_ =	strace $0x9000004B  }
0xb6: {  	_ =	sfence  }
0xb7: {  	s30 =	sld [smem:$0x0];
	_ =	sdelay $0x2  }
0xb8: {  	s31 =	sshll.u32 s1, $0xD;
	s1 =	sshrl.u32 s1, $0x2  }
0xb9: {  	s3 =	sand.u32 $0x4000, s31;
	s1 =	sadd.s32 s1, s30  }
0xba: {  	s0 =	sor.u32 s3, s0;
	s1 =	sshll.u32 s1, $0x11  }
0xbb: {  	s0 =	sor.u32 s1, s0  }
0xbc: {  	s0 =	sadd.s32 $0x8F2B, s0  }
0xbd: {  	[sflag:s0] =	ssyncadd.remote.s32 $0x1  }
0xbe: {  	_ =	sfence.sel $0xFFFF  }
0xbf: {  	[dreg:$0x0] =	wrdreg $0xFFFFFFFF;
	(pc) =	sbr.abs _section_cstart, $3  }
0xc0: {  	[dreg:$0x1] =	wrdreg $0xFFFFFFFF  }
0xc1: {  	_ =	task.clear_ibuf [dreg:s6], $0x2FFFF;
	_ =	strace $0x9FFFFFFF  }
0xc2: {  	(tm) =	ssettm $0x7FFFFFFF  }
0xc3: {  	_ =	shalt  }
tec
execute0_lowered:
.L_overlay_start_1:
0x0: {  	(tag) =	ssettag $0x1  }
0x1: {  	s5 =	rddreg [dreg:$0x0];
	s2 =	srdreg.scid  }
0x2: {  	s1 =	rddreg [dreg:$0x1];
	s6 =	sand.u32 $0x1, s2  }
0x3: {  	s3 =	simm.s32 $0x0;
	s2 =	stileid.u32;
	s4 =	smul.u32 $0x2710, s6  }
0x4: {  	[smem:$0x7FF] =	sst s3;
	s7 =	smul.u32 $0x14000, s2  }
0x5: {  	s0 =	rddreg [dreg:$0x2];
	_ =	strace $0x8000004A;
	s8 =	smul.u32 $0x140000, s6  }
0x6: {  	s6 =	ssub.s32 $0x2, s6;
	s26 =	smul.u32 $0x50000, s2;
	s29 =	sshll.u32 s2, $0x6  }
0x7: {  	s30 =	sshll.u32 s2, $0x4;
	s11 =	sshrl.u32 s6, $0x1;
	s9 =	sadd.s32 s4, s5  }
0x8: {  	s4 =	sadd.s32 $0x34C00, s5;
	s10 =	sshrl.u32 s7, $0x3;
	s7 =	sadd.s32 s7, s8  }
0x9: {  	s11 =	ssub.s32 s6, s11;
	s28 =	sshrl.u32 s26, $0x2;
	s6 =	sor.u32 $0x1C01, s29  }
0xa: {  	s10 =	sadd.s32 s10, s5;
	s7 =	sshrl.u32 s7, $0x3;
	s12 =	sadd.s32 s28, s1  }
0xb: {  	s31 =	sadd.s32 s30, s9;
	s8 =	smax.u32 s11, $0x1;
	s7 =	sadd.s32 s7, s5  }
0xc: {  	s5 =	sadd.s32 $0xCC00, s10;
	s9 =	sadd.s32 $0x2C00, s31;
	s10 =	sadd.s32 $0x7C00, s31  }
0xd: {  	s11 =	sshrl.u32 s12, $0x3;
	s12 =	simm.s32 $0x1;
	s7 =	sadd.s32 $0x83000, s7  }
.LBB2_1:
0xe: {  	[spmem:s11], [sflag:s6] =	dma.local [hbm:s5], $0x2800  }
0xf: {  	_ =	swait.ge [sflag:s12], $0x2800  }
0x10: {  	p0 =	sgt.u32 s2, $0x270;
	[sflag:s12] =	ssyncset.done $0x0  }
0x11: {  	s13 =	sadd.s32 @!p0 $0x0, s10;
	[sflag:s12] =	ssyncadd.s32 $0xFFFFD800  }
0x12: {  	s14 =	simm.s32 @!p0 $0x0;
	s15 =	simm.s32 @!p0 $0x2;
	[bflag:$0x0] =	sbarrier.arrive $0xFFFF  }
0x13: {  	[tilespmem:s14], [sflag:$0x2] =	stream.linear.gather @!p0 [hbm4b:s13+s14], $0x80, $0x38;
	[tilespmem:$0x18100] =	vst v63  }
0x14: {  	_ =	swait.ge @!p0 [sflag:s15], $0x80;
	p0 =	por p0, p0  }
0x15: {  	[sflag:s15] =	ssyncset.done @!p0 $0x0  }
0x16: {  	s13 =	sadd.s32 @!p0 $0x0, s9;
	s16 =	simm.s32 @!p0 $0x80;
	[sflag:s15] =	ssyncadd.s32 @!p0 $0xFFFFFF80  }
0x17: {  	[tilespmem:s16], [sflag:$0x2] =	stream.linear.gather @!p0 [hbm4b:s13+s14], $0x80, $0x38;
	[tilespmem:$0x18100] =	vst v63  }
0x18: {  	_ =	swait.ge @!p0 [sflag:s15], $0x80  }
0x19: {  	[sflag:s15] =	ssyncset.done @!p0 $0x0  }
0x1a: {  	s13 =	simm.s32 @!p0 $0x100;
	[sflag:s15] =	ssyncadd.s32 @!p0 $0xFFFFFF80  }
0x1b: {  	[tilespmem:s13], [sflag:$0x2] =	stream.indirect.gather @!p0 [hbm4b:s4+s16], $0x80, s14, s16, $0xb8;
	[tilespmem:$0x18100] =	vst v63  }
0x1c: {  	_ =	swait.ge @!p0 [sflag:s15], $0x4000  }
0x1d: {  	[sflag:s15] =	ssyncset.done @!p0 $0x0  }
0x1e: {  	s14 =	sadd.s32 $0x10, s2;
	[sflag:s15] =	ssyncadd.s32 @!p0 $0xFFFFC000  }
0x1f: {  	[spmem:s1] =	stream.indirect.scatter.add.f32 @!p0 [tilespmem:s13], [sflag:$0x1], $0x80, s16, s16, $0xb8;
	[tilespmem:$0x18100] =	vst v63  }
0x20: {  	p2 =	sgt.u32 s14, $0x270;
	s16 =	simm.s32 @!p0 $0x1  }
0x21: {  	s15 =	simm.s32 $0x200;
	s13 =	simm.s32 $0x100;
	_ =	swait.ge @!p0 [sflag:s16], $0x4000  }
.LBB2_2:
0x22: {  	s17 =	sadd.s32 @!p2 s13, s10  }
0x23: {  	s18 =	simm.s32 @!p2 $0x0;
	[sflag:s16] =	ssyncset.done @!p0 $0x0;
	s19 =	smov.u32 s15  }
0x24: {  	s15 =	sadd.s32 $0x100, s15;
	s20 =	simm.s32 @!p2 $0x2;
	[sflag:s16] =	ssyncadd.s32 @!p0 $0xFFFFC000  }
0x25: {  	[tilespmem:s18], [sflag:$0x2] =	stream.linear.gather @!p2 [hbm4b:s17+s18], $0x80, $0x38;
	[tilespmem:$0x18100] =	vst v63  }
0x26: {  	p1 =	sne.s32 s15, $0x2800;
	p0 =	por p2, p2;
	_ =	swait.ge @!p2 [sflag:s20], $0x80  }
0x27: {  	[sflag:s20] =	ssyncset.done @!p0 $0x0  }
0x28: {  	s13 =	sadd.s32 @!p0 s13, s9;
	s17 =	simm.s32 @!p0 $0x80;
	[sflag:s20] =	ssyncadd.s32 @!p0 $0xFFFFFF80  }
0x29: {  	[tilespmem:s17], [sflag:$0x2] =	stream.linear.gather @!p0 [hbm4b:s13+s18], $0x80, $0x38;
	[tilespmem:$0x18100] =	vst v63  }
0x2a: {  	s13 =	smov.u32 s19;
	_ =	swait.ge @!p0 [sflag:s20], $0x80  }
0x2b: {  	[sflag:s20] =	ssyncset.done @!p0 $0x0  }
0x2c: {  	s19 =	simm.s32 @!p0 $0x100;
	[sflag:s20] =	ssyncadd.s32 @!p0 $0xFFFFFF80  }
0x2d: {  	[tilespmem:s19], [sflag:$0x2] =	stream.indirect.gather @!p0 [hbm4b:s4+s17], $0x80, s18, s17, $0xb8;
	[tilespmem:$0x18100] =	vst v63  }
.Ltmp0:
0x2e: {  	_ =	swait.ge @!p0 [sflag:s20], $0x4000;
	(pc) =	sbr.rel @p1 .LBB2_2-.Ltmp0, $4  }
0x2f: {  	[sflag:s20] =	ssyncset.done @!p0 $0x0  }
0x30: {  	s14 =	sadd.s32 $0x10, s14;
	s16 =	simm.s32 @!p0 $0x1;
	[sflag:s20] =	ssyncadd.s32 @!p0 $0xFFFFC000  }
0x31: {  	[spmem:s1] =	stream.indirect.scatter.add.f32 @!p0 [tilespmem:s19], [sflag:$0x1], $0x80, s17, s17, $0xb8;
	[tilespmem:$0x18100] =	vst v63  }
0x32: {  	p2 =	sgt.u32 s14, $0x270;
	_ =	swait.ge @!p0 [sflag:s16], $0x4000  }
0x33: {  	s14 =	sadd.s32 @!p2 s13, s10;
	[sflag:s16] =	ssyncset.done @!p0 $0x0  }
0x34: {  	s15 =	simm.s32 @!p2 $0x0;
	s17 =	simm.s32 @!p2 $0x2;
	[sflag:s16] =	ssyncadd.s32 @!p0 $0xFFFFC000  }
0x35: {  	[tilespmem:s15], [sflag:$0x2] =	stream.linear.gather @!p2 [hbm4b:s14+s15], $0x80, $0x38;
	[tilespmem:$0x18100] =	vst v63  }
0x36: {  	p0 =	por p2, p2;
	_ =	swait.ge @!p2 [sflag:s17], $0x80  }
0x37: {  	[sflag:s17] =	ssyncset.done @!p0 $0x0  }
0x38: {  	s13 =	sadd.s32 @!p0 s13, s9;
	s14 =	simm.s32 @!p0 $0x80;
	[sflag:s17] =	ssyncadd.s32 @!p0 $0xFFFFFF80  }
0x39: {  	[tilespmem:s14], [sflag:$0x2] =	stream.linear.gather @!p0 [hbm4b:s13+s15], $0x80, $0x38;
	[tilespmem:$0x18100] =	vst v63  }
0x3a: {  	_ =	swait.ge @!p0 [sflag:s17], $0x80  }
0x3b: {  	[sflag:s17] =	ssyncset.done @!p0 $0x0  }
0x3c: {  	s13 =	simm.s32 @!p0 $0x100;
	[sflag:s17] =	ssyncadd.s32 @!p0 $0xFFFFFF80  }
0x3d: {  	[tilespmem:s13], [sflag:$0x2] =	stream.indirect.gather @!p0 [hbm4b:s4+s14], $0x80, s15, s14, $0xb8;
	[tilespmem:$0x18100] =	vst v63  }
0x3e: {  	_ =	swait.ge @!p0 [sflag:s17], $0x4000  }
0x3f: {  	[sflag:s17] =	ssyncset.done @!p0 $0x0  }
0x40: {  	s15 =	simm.s32 @!p0 $0x1;
	[sflag:s17] =	ssyncadd.s32 @!p0 $0xFFFFC000  }
0x41: {  	[spmem:s1] =	stream.indirect.scatter.add.f32 @!p0 [tilespmem:s13], [sflag:$0x1], $0x80, s14, s14, $0xb8;
	[tilespmem:$0x18100] =	vst v63  }
0x42: {  	_ =	swait.ge @!p0 [sflag:s15], $0x4000  }
0x43: {  	s3 =	sadd.s32 $0x1, s3;
	[sflag:s15] =	ssyncset.done @!p0 $0x0  }
0x44: {  	[sflag:s15] =	ssyncadd.s32 @!p0 $0xFFFFC000;
	p0 =	sne.s32 s3, s8  }
.Ltmp1:
0x45: {  	[bflag:$0x0] =	sbarrier.arrive $0xFFFF;
	(pc) =	sbr.rel @p0 .LBB2_1-.Ltmp1, $4  }
0x46: {  	[hbm:s7], [sflag:s6] =	dma.local [spmem:s11], $0x2800  }
0x47: {  	_ =	swait.ge [sflag:s12], $0x2800  }
0x48: {  	[sflag:s12] =	ssyncset.done $0x0  }
0x49: {  	[sflag:s12] =	ssyncadd.s32 $0xFFFFD800  }
0x4a: {  	_ =	sfence.sel $0x180000  }
0x4b: {  	[bflag:$0x0] =	sbarrier.arrive $0xFFFF  }
0x4c: {  	p0 =	sne.s32 s2, $0x0;
	_ =	strace $0x9000004A  }
0x4d: {  	s0 =	sadd.s32 @!p0 $0x100000, s0;
	[bflag:$0x2] =	sbarrier.arrive $0xFFFF  }
0x4e: {  	[sflag:s0] =	ssyncadd.tile.s32 @!p0 $0x1;
	_ =	shalt  }
.Lfunc_end2:
_tile_overlayer_lowered:
.L_overlay_start_2:
0x4f: {  	(tag) =	ssettag $0x2  }
0x50: {  	s0 =	rddreg [dreg:$0x0];
	s2 =	stileid.u32  }
0x51: {  	s1 =	rddreg [dreg:$0x1];
	p0 =	sne.s32 s2, $0x0  }
0x52: {  	s3 =	rddreg [dreg:$0x2];
	[bflag:$0x3] =	sbarrier.arrive $0xFFFF;
	s2 =	simm.s32 @!p0 $0x1C01  }
0x53: {  	[timem:s3], [sflag:s2] =	dma.local @!p0 [hbm:s0], s1  }
0x54: {  	s0 =	simm.s32 @!p0 $0x1  }
0x55: {  	_ =	swait.ge @!p0 [sflag:s0], s1  }
0x56: {  	s1 =	ssub.s32 @!p0 $0x0, s1;
	[sflag:s0] =	ssyncset.done @!p0 $0x0  }
0x57: {  	[sflag:s0] =	ssyncadd.s32 @!p0 s1  }
0x58: {  	[bflag:$0x3] =	sbarrier.arrive $0xFFFF  }
0x59: {  	_ =	shalt  }

// kernel: kernel.7.cloned.1.call-start
scs
__scs_entry_jumppad:
0x0: {  	(pc) =	sbr.rel $0x88, $3  }
0x1: {  	(tag) =	ssettag $0x0;
	lr =	simm.s32 $0x1  }
0x2: {  	[smem:$0x3F95] =	sst lr;
	_ =	strace $0xD0000000  }
0x3: {  	_ = 	snop  }
0x4: {  	_ = 	snop  }
0x5: {  	_ = 	snop  }
0x6: {  	_ = 	snop  }
0x7: {  	_ = 	snop  }
__scs_overlays_trampoline_lowered:
0x8: {  	[smem:$0x3FA4] =	sst s0  }
0x9: {  	[smem:$0x3FA5] =	sst s1  }
0xa: {  	[smem:$0x3FA6] =	sst s2  }
0xb: {  	[smem:$0x3FA7] =	sst s3  }
0xc: {  	[smem:$0x3FA8] =	sst s4  }
0xd: {  	[smem:$0x3FA9] =	sst s5  }
0xe: {  	[smem:$0x3FAA] =	sst s6  }
0xf: {  	[smem:$0x3FAB] =	sst s7  }
0x10: {  	[smem:$0x3FAC] =	sst s8  }
0x11: {  	[smem:$0x3FAD] =	sst s9;
	s0 =	simm.s32 @!p0 $0x0  }
0x12: {  	s1 =	sld [smem:$0x3F93];
	s0 =	simm.s32 @p0 $0x1  }
0x13: {  	[smem:$0x3FAE] =	sst s0;
	s0 =	simm.s32 @!p1 $0x0  }
0x14: {  	s2 =	sld [smem:$0x3F92];
	s0 =	simm.s32 @p1 $0x1  }
0x15: {  	[smem:$0x3FAF] =	sst s0;
	s0 =	simm.s32 @!p2 $0x0  }
0x16: {  	s3 =	sld [smem:$0x3FDB];
	s0 =	simm.s32 @p2 $0x1  }
0x17: {  	s4 =	simm.s32 $0x1BF5;
	[smem:$0x3FB1] =	sst s0  }
0x18: {  	s0 =	sld [smem:$0x3F94];
	_ =	swait.ge [sflag:s4], $0x0  }
0x19: {  	s7 =	sld [smem:$0x3F95]  }
0x1a: {  	s8 =	sadd.s32 $0xFFFFE003, lr  }
0x1b: {  	s9 =	sadd.s32 $0xFFFFFEF7, lr;
	s5 =	simm.s32 $0xFFFFFFFF;
	p2 =	slt.u32 s8, $0xFFFFF086  }
0x1c: {  	p1 =	slt.u32 s9, $0xF7A;
	s5 =	simm.s32 @!p2 $0x0  }
0x1d: {  	s5 =	simm.s32 @p1 $0x1;
	p0 =	seq.s32 s7, s2  }
0x1e: {  	s7 =	smul.u32 @!p0 $0xF7A, s2;
	p2 =	seq.s32 @!p0 s5, $0x0  }
0x1f: {  	s9 =	smul.u32 $0xF7A, s1;
	s8 =	simm.s32 @!p0 $0x1BF5;
	p2 =	por !p2, p0  }
0x20: {  	[sflag:s8] =	ssyncset.s32 @!p0 $0xFFFFF086;
	s6 =	sadd.s32 @!p0 s3, s7;
	s7 =	simm.s32 @!p0 $0x108  }
0x21: {  	s3 =	sadd.s32 s3, s9;
	s6 =	sadd.s32 @!p0 $0x88, s6;
	s7 =	simm.s32 @p2 $0x1082  }
0x22: {  	[simem:s7], [sflag:s8] =	dma.local @!p0 [hbm:s6], $0xF7A  }
0x23: {  	s9 =	sor.u32 $0xD0000000, s2;
	s6 =	simm.s32 $0x108;
	_ =	swait.ge @!p0 [sflag:s8], $0x0  }
0x24: {  	s3 =	sadd.s32 $0x88, s3;
	s6 =	simm.s32 @!p1 $0x1082;
	[sflag:s4] =	ssyncset.s32 $0xFFFFF086  }
0x25: {  	[simem:s6], [sflag:s4] =	dma.local [hbm:s3], $0xF7A  }
0x26: {  	[smem:$0x3F95] =	sst s1;
	(tag) =	ssettag s2;
	_ =	strace s9  }
0x27: {  	s1 =	sld [smem:$0x3FA5]  }
0x28: {  	s2 =	sld [smem:$0x3FA6]  }
0x29: {  	s4 =	sld [smem:$0x3FA8]  }
0x2a: {  	p0 =	seq.s32 s5, $0x0;
	s5 =	sld [smem:$0x3FA9]  }
0x2b: {  	s6 =	sld [smem:$0x3FAA]  }
0x2c: {  	s7 =	sld [smem:$0x3FAB]  }
0x2d: {  	s3 =	simm.s32 $0x108;
	s8 =	sld [smem:$0x3FAC]  }
0x2e: {  	s3 =	simm.s32 @!p0 $0x1082;
	s9 =	sld [smem:$0x3FAD]  }
0x2f: {  	lr =	sadd.s32 s0, s3;
	s0 =	sld [smem:$0x3FA4]  }
0x30: {  	s3 =	sld [smem:$0x3FA7]  }
0x31: {  	[smem:$0x3FB0] =	sst s10  }
0x32: {  	s10 =	sld [smem:$0x3FAE];
	_ =	sdelay $0x3  }
0x33: {  	p0 =	seq.s32 s10, $0x1;
	s10 =	sld [smem:$0x3FB0];
	_ =	sdelay $0x3  }
0x34: {  	[smem:$0x3FB0] =	sst s10  }
0x35: {  	s10 =	sld [smem:$0x3FAF];
	_ =	sdelay $0x3  }
0x36: {  	p1 =	seq.s32 s10, $0x1;
	s10 =	sld [smem:$0x3FB0];
	_ =	sdelay $0x3  }
0x37: {  	[smem:$0x3FB0] =	sst s10  }
0x38: {  	s10 =	sld [smem:$0x3FB1]  }
0x39: {  	_ = 	snop;
	(pc) =	sbr.ind lr, $3  }
0x3a: {  	_ = 	snop  }
0x3b: {  	_ = 	snop  }
0x3c: {  	p2 =	seq.s32 s10, $0x1;
	s10 =	sld [smem:$0x3FB0]  }
0x3d: {  	_ =	shalt  }
0x3e: {  	_ =	shalt  }
0x3f: {  	_ =	shalt  }
0x40: {  	_ =	shalt  }
0x41: {  	_ =	shalt  }
0x42: {  	_ =	shalt  }
0x43: {  	_ =	shalt  }
0x44: {  	_ =	shalt  }
0x45: {  	_ =	shalt  }
0x46: {  	_ =	shalt  }
0x47: {  	_ =	shalt  }
0x48: {  	_ =	shalt  }
0x49: {  	_ =	shalt  }
0x4a: {  	_ =	shalt  }
0x4b: {  	_ =	shalt  }
0x4c: {  	_ =	shalt  }
0x4d: {  	_ =	shalt  }
0x4e: {  	_ =	shalt  }
0x4f: {  	_ =	shalt  }
0x50: {  	_ =	shalt  }
0x51: {  	_ =	shalt  }
0x52: {  	_ =	shalt  }
0x53: {  	_ =	shalt  }
0x54: {  	_ =	shalt  }
0x55: {  	_ =	shalt  }
0x56: {  	_ =	shalt  }
0x57: {  	_ =	shalt  }
0x58: {  	_ =	shalt  }
0x59: {  	_ =	shalt  }
0x5a: {  	_ =	shalt  }
0x5b: {  	_ =	shalt  }
0x5c: {  	_ =	shalt  }
0x5d: {  	_ =	shalt  }
0x5e: {  	_ =	shalt  }
0x5f: {  	_ =	shalt  }
0x60: {  	_ =	shalt  }
0x61: {  	_ =	shalt  }
0x62: {  	_ =	shalt  }
0x63: {  	_ =	shalt  }
0x64: {  	_ =	shalt  }
0x65: {  	_ =	shalt  }
0x66: {  	_ =	shalt  }
0x67: {  	_ =	shalt  }
0x68: {  	_ =	shalt  }
0x69: {  	_ =	shalt  }
0x6a: {  	_ =	shalt  }
0x6b: {  	_ =	shalt  }
0x6c: {  	_ =	shalt  }
0x6d: {  	_ =	shalt  }
0x6e: {  	_ =	shalt  }
0x6f: {  	_ =	shalt  }
0x70: {  	_ =	shalt  }
0x71: {  	_ =	shalt  }
0x72: {  	_ =	shalt  }
0x73: {  	_ =	shalt  }
0x74: {  	_ =	shalt  }
0x75: {  	_ =	shalt  }
0x76: {  	_ =	shalt  }
0x77: {  	_ =	shalt  }
0x78: {  	_ =	shalt  }
0x79: {  	_ =	shalt  }
0x7a: {  	_ =	shalt  }
0x7b: {  	_ =	shalt  }
0x7c: {  	_ =	shalt  }
0x7d: {  	_ =	shalt  }
0x7e: {  	_ =	shalt  }
0x7f: {  	_ =	shalt  }
0x80: {  	_ =	shalt  }
0x81: {  	_ =	shalt  }
0x82: {  	_ =	shalt  }
0x83: {  	_ =	shalt  }
0x84: {  	_ =	shalt  }
0x85: {  	_ =	shalt  }
0x86: {  	_ =	shalt  }
0x87: {  	_ =	shalt  }
.Lfunc_end0:
.L_simem_size_0:
called_computation_lowered:
.L_overlay_start_0:
0x88: {  	s2 =	sld [smem:$0x3FD9]  }
0x89: {  	s3 =	sld [smem:$0x3FFE];
	_ =	sdelay $0x1  }
0x8a: {  	s1 =	srdreg.scid  }
0x8b: {  	s0 =	sand.u32 $0x1, s1  }
0x8c: {  	s14 =	sshll.u32 s0, $0xA;
	s2 =	sadd.s32 s3, s2  }
0x8d: {  	s2 =	sadd.s32 s2, s14  }
0x8e: {  	[smem:$0x3FBC] =	sst s2  }
0x8f: {  	_ = 	snop  }
0x90: {  	s2 =	sld [smem:$0x3FD0];
	_ =	sdelay $0x2  }
0x91: {  	s15 =	simm.s32 $0xA;
	s4 =	simm.s32 $0x10  }
0x92: {  	[smem:s4], [sflag:s15] =	dma.local [hbm:s2], $0x1  }
0x93: {  	_ =	swait.eq [sflag:s15], $0x1  }
0x94: {  	[sflag:s15] =	ssyncset.done $0x0  }
0x95: {  	[sflag:s15] =	ssyncadd.s32 $0xFFFFFFFF  }
0x96: {  	s16 =	sld [smem:$0x10];
	(tm) =	ssettm $0x1  }
0x97: {  	s17 =	sld [smem:$0x3FFB];
	_ =	sdelay $0x3  }
0x98: {  	_ =	strace s17  }
0x99: {  	s3 =	sld [smem:$0x3FFC];
	_ =	sdelay $0x3  }
0x9a: {  	_ =	strace s3  }
0x9b: {  	s3 =	sld [smem:$0x3FFD];
	_ =	sdelay $0x3  }
0x9c: {  	_ =	strace s3  }
0x9d: {  	_ =	strace $0x8FFFFFFF  }
0x9e: {  	s18 =	sld [smem:$0x3FDB];
	_ =	sdelay $0x1  }
0x9f: {  	s19 =	simm.s32 $_scs_section_size  }
0xa0: {  	s5 =	simm.s32 $_size__tile_overlayer_lowered;
	s6 =	simm.s32 $_tile_overlayer_lowered  }
0xa1: {  	s22 =	simm.s32 $0x1BFF;
	s21 =	sshll.u32 s6, $0x1;
	s3 =	sadd.s32 s19, s18  }
0xa2: {  	s7 =	simm.s32 $0x0;
	s20 =	sshll.u32 s5, $0x1;
	s5 =	sadd.s32 s21, s3  }
0xa3: {  	[timem:s7], [sflag:s22] =	dma.local [hbm:s5], s20  }
0xa4: {  	_ =	swait.ge [sflag:s22], s20  }
0xa5: {  	s4 =	ssub.s32 $0x0, s20;
	[sflag:s22] =	ssyncset.done $0x0  }
0xa6: {  	[sflag:s22] =	ssyncadd.s32 s4;
	_ =	sdelay $0x1  }
0xa7: {  	s23 =	simm.s32 $0x1B8B  }
0xa8: {  	_ =	swait.ge [sflag:s23], $0x1  }
0xa9: {  	[sflag:s23] =	ssyncset.done $0x0  }
0xaa: {  	s25 =	simm.s32 $0x1B8E;
	s24 =	sld [smem:$0x3FFE];
	[sflag:s23] =	ssyncadd.s32 $0xFFFFFFFF  }
0xab: {  	s26 =	simm.s32 $execute0_lowered;
	[smem:$0x3FD2] =	sst s25  }
0xac: {  	s5 =	sshll.u32 s26, $0x1;
	_ =	strace $0x80000046;
	[dreg:$0x1] =	wrdreg $0xFFFFFFFF  }
0xad: {  	s28 =	simm.s32 $_size_execute0_lowered;
	s3 =	sadd.s32 s3, s5;
	[dreg:$0x0] =	wrdreg $0x0  }
0xae: {  	s5 =	sshll.u32 s28, $0x1;
	[dreg:$0x2] =	wrdreg s3  }
0xaf: {  	[dreg:$0x3] =	wrdreg s5  }
0xb0: {  	[dreg:$0x4] =	wrdreg $0xC0  }
0xb1: {  	_ =	task [dreg:s7], $0x5FFFF  }
0xb2: {  	[dreg:$0x1] =	wrdreg $0xFFFFFFFF  }
0xb3: {  	[dreg:$0x0] =	wrdreg $0x60  }
0xb4: {  	[dreg:$0x2] =	wrdreg s24  }
0xb5: {  	[dreg:$0x3] =	wrdreg s16  }
0xb6: {  	[dreg:$0x4] =	wrdreg $0x40800  }
0xb7: {  	[dreg:$0x5] =	wrdreg $0x9  }
0xb8: {  	_ =	task.clear_ibuf [dreg:s7], $0x6FFFF;
	_ =	strace $0x90000046  }
0xb9: {  	s29 =	simm.s32 $0x9;
	_ =	strace $0x80000048  }
0xba: {  	_ =	swait.ge [sflag:s29], $0x1  }
0xbb: {  	[sflag:s29] =	ssyncadd.s32 $0xFFFFFFFF  }
0xbc: {  	_ =	strace $0x90000048  }
0xbd: {  	_ =	sfence  }
0xbe: {  	s30 =	sld [smem:$0x0];
	_ =	sdelay $0x2  }
0xbf: {  	s31 =	sshll.u32 s1, $0xD;
	s1 =	sshrl.u32 s1, $0x2  }
0xc0: {  	s3 =	sand.u32 $0x4000, s31;
	s1 =	sadd.s32 s1, s30  }
0xc1: {  	s0 =	sor.u32 s3, s0;
	s1 =	sshll.u32 s1, $0x11  }
0xc2: {  	s0 =	sor.u32 s1, s0  }
0xc3: {  	s0 =	sadd.s32 $0x8F2B, s0  }
0xc4: {  	[sflag:s0] =	ssyncadd.remote.s32 $0x1  }
0xc5: {  	_ =	sfence.sel $0xFFFF  }
0xc6: {  	[dreg:$0x0] =	wrdreg $0xFFFFFFFF;
	(pc) =	sbr.abs _section_cstart, $3  }
0xc7: {  	[dreg:$0x1] =	wrdreg $0xFFFFFFFF  }
0xc8: {  	_ =	task.clear_ibuf [dreg:s7], $0x2FFFF;
	_ =	strace $0x9FFFFFFF  }
0xc9: {  	(tm) =	ssettm $0x7FFFFFFF  }
tec
execute0_lowered:
.L_overlay_start_1:
0x0: {  	(tag) =	ssettag $0x1  }
0x1: {  	s5 =	rddreg [dreg:$0x0]  }
0x2: {  	s1 =	rddreg [dreg:$0x1];
	s3 =	srdreg.scid  }
0x3: {  	s2 =	rddreg [dreg:$0x2];
	s6 =	sand.u32 $0x1, s3  }
0x4: {  	s3 =	stileid.u32;
	s7 =	smul.u32 $0x2710, s6  }
0x5: {  	s0 =	rddreg [dreg:$0x3];
	s4 =	simm.s32 $0x0;
	s8 =	smul.u32 $0x14000, s3  }
0x6: {  	s13 =	simm.s32 $0x0;
	[smem:$0x7FF] =	sst s4;
	s9 =	smul.u32 $0x140000, s6  }
0x7: {  	_ =	strace $0x80000047;
	s11 =	smul.u32 $0x50000, s3;
	s6 =	ssub.s32 $0x2, s6  }
0x8: {  	s31 =	sshll.u32 s3, $0x6;
	s12 =	sshll.u32 s3, $0x4;
	s30 =	sshrl.u32 s6, $0x1  }
0x9: {  	s10 =	sadd.s32 s7, s5;
	s29 =	sshrl.u32 s8, $0x3;
	s8 =	sadd.s32 s8, s9  }
0xa: {  	s11 =	sshrl.u32 s11, $0x2;
	s9 =	ssub.s32 s6, s30;
	s6 =	sor.u32 $0x1C01, s31  }
0xb: {  	s7 =	sadd.s32 s29, s5;
	s8 =	sshrl.u32 s8, $0x3;
	s11 =	sadd.s32 s11, s2  }
0xc: {  	s10 =	sadd.s32 s12, s10;
	s12 =	simm.s32 $0x80;
	s8 =	sadd.s32 s8, s5  }
0xd: {  	s5 =	sadd.s32 $0xCC00, s7;
	s7 =	sadd.s32 $0x34C00, s8;
	s8 =	smax.u32 s9, $0x1  }
0xe: {  	s9 =	sadd.s32 $0x2C00, s10;
	s10 =	sshrl.u32 s11, $0x3;
	s11 =	simm.s32 $0x1  }
.LBB2_1:
0xf: {  	[spmem:s10], [sflag:s6] =	dma.local [hbm:s5], $0x2800  }
0x10: {  	_ =	swait.ge [sflag:s11], $0x2800  }
0x11: {  	[sflag:s11] =	ssyncset.done $0x0  }
0x12: {  	[sflag:s11] =	ssyncadd.s32 $0xFFFFD800  }
0x13: {  	[tilespmem:s12], [sflag:$0x1] =	stream.linear.gather [hbm4b:s1+s4], $0x4000, $0x38;
	[tilespmem:$0x18080] =	vst v63  }
0x14: {  	_ =	swait.ge [sflag:s11], $0x4000  }
0x15: {  	s14 =	sadd.s32 $0x0, s3;
	[sflag:s11] =	ssyncset.done $0x0  }
0x16: {  	p0 =	sgt.u32 s14, $0x270;
	[sflag:s11] =	ssyncadd.s32 $0xFFFFC000  }
0x17: {  	s15 =	simm.s32 @!p0 $0x0;
	s16 =	simm.s32 @!p0 $0x2;
	[bflag:$0x0] =	sbarrier.arrive $0xFFFF  }
0x18: {  	[tilespmem:s15], [sflag:$0x2] =	stream.linear.gather @!p0 [hbm4b:s9+s15], $0x80, $0x38;
	[tilespmem:$0x18080] =	vst v63  }
0x19: {  	_ =	swait.ge @!p0 [sflag:s16], $0x80  }
0x1a: {  	s31 =	sadd.s32 $0x10, s3;
	[sflag:s16] =	ssyncset.done @!p0 $0x0  }
0x1b: {  	s17 =	simm.s32 @!p0 $0x80;
	[sflag:s16] =	ssyncadd.s32 @!p0 $0xFFFFFF80;
	s16 =	simm.s32 @!p0 $0x1  }
0x1c: {  	[spmem:s2] =	stream.indirect.scatter.add.f32 @!p0 [tilespmem:s17], [sflag:$0x1], $0x80, s15, s17, $0xb8;
	[tilespmem:$0x18080] =	vst v63  }
0x1d: {  	s14 =	simm.s32 $0x20;
	p1 =	por p0, p0;
	_ =	swait.ge @!p0 [sflag:s16], $0x4000  }
0x1e: {  	s15 =	sadd.s32 $0x100, s9;
	p0 =	sgt.u32 s31, $0x270;
	[sflag:s16] =	ssyncset.done @!p1 $0x0  }
.LBB2_2:
0x1f: {  	s17 =	simm.s32 @!p0 $0x0;
	s18 =	simm.s32 @!p0 $0x2  }
0x20: {  	[sflag:s16] =	ssyncadd.s32 @!p1 $0xFFFFC000;
	s19 =	smov.u32 s14;
	s14 =	sadd.s32 $0x10, s14  }
0x21: {  	[tilespmem:s17], [sflag:$0x2] =	stream.linear.gather @!p0 [hbm4b:s15+s17], $0x80, $0x38;
	[tilespmem:$0x18080] =	vst v63  }
0x22: {  	p2 =	sne.s32 s14, $0x280;
	_ =	swait.ge @!p0 [sflag:s18], $0x80  }
.Ltmp0:
0x23: {  	[sflag:s18] =	ssyncset.done @!p0 $0x0;
	(pc) =	sbr.rel @p2 .LBB2_2-.Ltmp0, $4  }
0x24: {  	s16 =	simm.s32 @!p0 $0x1;
	[sflag:s18] =	ssyncadd.s32 @!p0 $0xFFFFFF80;
	s18 =	simm.s32 @!p0 $0x80  }
0x25: {  	[spmem:s2] =	stream.indirect.scatter.add.f32 @!p0 [tilespmem:s18], [sflag:$0x1], $0x80, s17, s18, $0xb8;
	[tilespmem:$0x18080] =	vst v63  }
0x26: {  	p1 =	por p0, p0;
	s17 =	sadd.s32 s19, s3;
	_ =	swait.ge @!p0 [sflag:s16], $0x4000  }
0x27: {  	s15 =	sadd.s32 $0x100, s15;
	p0 =	sgt.u32 s17, $0x270;
	[sflag:s16] =	ssyncset.done @!p1 $0x0  }
0x28: {  	s14 =	simm.s32 @!p0 $0x0;
	s17 =	simm.s32 @!p0 $0x2;
	[sflag:s16] =	ssyncadd.s32 @!p1 $0xFFFFC000  }
0x29: {  	[tilespmem:s14], [sflag:$0x2] =	stream.linear.gather @!p0 [hbm4b:s15+s14], $0x80, $0x38;
	[tilespmem:$0x18080] =	vst v63  }
0x2a: {  	_ =	swait.ge @!p0 [sflag:s17], $0x80  }
0x2b: {  	[sflag:s17] =	ssyncset.done @!p0 $0x0  }
0x2c: {  	s16 =	simm.s32 @!p0 $0x1;
	s15 =	simm.s32 @!p0 $0x80;
	[sflag:s17] =	ssyncadd.s32 @!p0 $0xFFFFFF80  }
0x2d: {  	[spmem:s2] =	stream.indirect.scatter.add.f32 @!p0 [tilespmem:s15], [sflag:$0x1], $0x80, s14, s15, $0xb8;
	[tilespmem:$0x18080] =	vst v63  }
0x2e: {  	_ =	swait.ge @!p0 [sflag:s16], $0x4000;
	p0 =	por p0, p0  }
0x2f: {  	s13 =	sadd.s32 $0x1, s13;
	[sflag:s16] =	ssyncset.done @!p0 $0x0  }
0x30: {  	[sflag:s16] =	ssyncadd.s32 @!p0 $0xFFFFC000;
	p0 =	sne.s32 s13, s8  }
.Ltmp1:
0x31: {  	[bflag:$0x0] =	sbarrier.arrive $0xFFFF;
	(pc) =	sbr.rel @p0 .LBB2_1-.Ltmp1, $4  }
0x32: {  	[hbm:s7], [sflag:s6] =	dma.local [spmem:s10], $0x2800  }
0x33: {  	_ =	swait.ge [sflag:s11], $0x2800  }
0x34: {  	[sflag:s11] =	ssyncset.done $0x0  }
0x35: {  	[sflag:s11] =	ssyncadd.s32 $0xFFFFD800  }
0x36: {  	_ =	sfence.sel $0x180000  }
0x37: {  	[bflag:$0x0] =	sbarrier.arrive $0xFFFF  }
0x38: {  	p0 =	sne.s32 s3, $0x0;
	_ =	strace $0x90000047  }
0x39: {  	s0 =	sadd.s32 @!p0 $0x100000, s0;
	[bflag:$0x2] =	sbarrier.arrive $0xFFFF  }
0x3a: {  	[sflag:s0] =	ssyncadd.tile.s32 @!p0 $0x1;
	_ =	shalt  }
.Lfunc_end2:
_tile_overlayer_lowered:
.L_overlay_start_2:
0x3b: {  	(tag) =	ssettag $0x2  }
0x3c: {  	s0 =	rddreg [dreg:$0x0];
	s2 =	stileid.u32  }
0x3d: {  	s1 =	rddreg [dreg:$0x1];
	p0 =	sne.s32 s2, $0x0  }
0x3e: {  	s3 =	rddreg [dreg:$0x2];
	[bflag:$0x3] =	sbarrier.arrive $0xFFFF;
	s2 =	simm.s32 @!p0 $0x1C01  }
0x3f: {  	[timem:s3], [sflag:s2] =	dma.local @!p0 [hbm:s0], s1  }
0x40: {  	s0 =	simm.s32 @!p0 $0x1  }
0x41: {  	_ =	swait.ge @!p0 [sflag:s0], s1  }
0x42: {  	s1 =	ssub.s32 @!p0 $0x0, s1;
	[sflag:s0] =	ssyncset.done @!p0 $0x0  }
0x43: {  	[sflag:s0] =	ssyncadd.s32 @!p0 s1  }
0x44: {  	[bflag:$0x3] =	sbarrier.arrive $0xFFFF  }
0x45: {  	_ =	shalt  }

</sc_bundles>
